<compile_context>
chip_gen: v7x
topology: tpu7x:2x2x1
jax: 0.10.2.dev20260603
libtpu: 0.0.44.dev20260713+nightly
codegen_flags: <defaults>
</compile_context>

<pallas_src>
import functools

import jax
import jax.numpy as jnp
from jax import lax
from jax.experimental import pallas as pl
from jax.experimental.pallas import tpu as pltpu
from jax.experimental.pallas import tpu_sc as plsc

N_EDGES_K = 6400000
N_FRAMES_K = 16
NC = 2
NS = 16
L = 16
NW = NC * NS
PER_W = N_EDGES_K // NW
CHUNK = 40000
N_CHUNKS = PER_W // CHUNK

BR = 25600
NB = N_EDGES_K // BR


def _energy_body(rij_ref, e_ref):
    blk = rij_ref[...]
    sq = blk * blk
    d2 = jax.lax.dot_general(jnp.ones((1, 3), jnp.float32), sq,
                             (((1,), (1,)), ((), ())),
                             preferred_element_type=jnp.float32)
    r = 1.0 / d2
    e_ref[...] = ((r * r) * r).reshape(BR // 128, 128)


def _segment_body(e_hbm, idx_hbm, cum_hbm, out_hbm, e_v, idx_v, cum_v, scr_v):
    wid = lax.axis_index("c") * NS + lax.axis_index("s")
    base = wid * PER_W

    pltpu.sync_copy(cum_hbm, cum_v)
    cum_vec = cum_v[pl.ds(0, N_FRAMES_K)]
    cums = [cum_vec[f] for f in range(N_FRAMES_K - 1)]

    lane = lax.iota(jnp.int32, L)
    zero = jnp.zeros((L,), jnp.float32)

    def chunk_body(ch, accs):
        start = base + ch * CHUNK
        pltpu.sync_copy(e_hbm.at[pl.ds(start, CHUNK)], e_v)
        pltpu.sync_copy(idx_hbm.at[pl.ds(start, CHUNK)], idx_v)
        iv_first = idx_v[pl.ds(0, L)][0]
        iv_last = idx_v[pl.ds(CHUNK - L, L)][L - 1]

        def vec_body(i, cs):
            return cs + e_v[pl.ds(i * L, L)]

        cs = lax.fori_loop(0, CHUNK // L, vec_body, zero, unroll=8)

        new = []
        for f in range(N_FRAMES_K - 1):
            c = cums[f]
            def mid(acc=accs[f], c=c):
                def mbody(i, s):
                    idxv = idx_v[pl.ds(i * L, L)]
                    ev = e_v[pl.ds(i * L, L)]
                    return s + jnp.where(idxv < c, ev, 0.0)
                return acc + lax.fori_loop(0, CHUNK // L, mbody, zero, unroll=4)
            def triv(acc=accs[f], c=c):
                return acc + jnp.where(c > iv_last, cs, zero)
            new.append(lax.cond((c > iv_first) & (c <= iv_last), mid, triv))
        new.append(accs[N_FRAMES_K - 1] + cs)
        return tuple(new)

    accs = lax.fori_loop(0, N_CHUNKS, chunk_body,
                         tuple(zero for _ in range(N_FRAMES_K)))

    for f in range(N_FRAMES_K):
        scr_v[pl.ds(f * L, L)] = accs[f]
    col_idx = lane * L
    total = plsc.load_gather(scr_v, [col_idx])
    for c in range(1, L):
        total = total + plsc.load_gather(scr_v, [col_idx + c])
    scr_v[pl.ds(0, L)] = total
    pltpu.sync_copy(scr_v.at[pl.ds(0, L)],
                    out_hbm.at[pl.ds(wid * N_FRAMES_K, N_FRAMES_K)])


@functools.partial(jax.jit, static_argnames=())
def kernel(Rij, idx_i, n_atoms):
    cum = jnp.cumsum(n_atoms, dtype=jnp.int32)

    e = pl.pallas_call(
        _energy_body,
        grid=(NB,),
        in_specs=[pl.BlockSpec((BR, 3), lambda i: (i, 0))],
        out_specs=pl.BlockSpec((BR // 128, 128), lambda i: (i, 0)),
        out_shape=jax.ShapeDtypeStruct((N_EDGES_K // 128, 128), jnp.float32),
    )(Rij)
    e = e.reshape(N_EDGES_K)

    mesh = plsc.VectorSubcoreMesh(core_axis_name="c", subcore_axis_name="s")
    run = pl.kernel(
        _segment_body,
        out_type=jax.ShapeDtypeStruct((NW * N_FRAMES_K,), jnp.float32),
        mesh=mesh,
        scratch_types=[
            pltpu.VMEM((CHUNK,), jnp.float32),
            pltpu.VMEM((CHUNK,), jnp.int32),
            pltpu.VMEM((N_FRAMES_K,), jnp.int32),
            pltpu.VMEM((N_FRAMES_K * L,), jnp.float32),
        ],
        compiler_params=pltpu.CompilerParams(needs_layout_passes=False),
    )
    rows = run(e, idx_i, cum).reshape(NW, N_FRAMES_K)
    prefix = rows.sum(axis=0)
    energy = prefix - jnp.concatenate([jnp.zeros((1,), jnp.float32), prefix[:-1]])
    return energy * 0.5

# --- scband reference (transcript-rebuilt; emitter-appended) ---
"""Pipeline reference for scband-excluded-volume-energy-20023137534436 (READ-ONLY COPY).

The authoritative reference and input builder live on the scoring server;
editing this copy changes nothing except your own understanding.
"""

import jax, jax.numpy as jnp
import numpy as np

SIGMA = 1.0
EXPONENT = 6
N_EDGES = 6400000
N_NODES = 100000
N_FRAMES = 16


def setup_inputs(seed: int = 0) -> dict:
    key = jax.random.key(seed)
    k1, k2 = jax.random.split(key)
    # displacement vectors; keep components in [0.5, 2.0] so distances are bounded away from 0
    Rij = jax.random.uniform(k1, (N_EDGES, 3), dtype=jnp.float32, minval=0.5, maxval=2.0)
    idx_i = jnp.sort(jax.random.randint(k2, (N_EDGES,), 0, N_NODES, dtype=jnp.int32))
    # guarantee the last frame is populated (the torch code sizes output by idx_frame[-1]+1)
    idx_i = idx_i.at[-1].set(N_NODES - 1)
    n_atoms = jnp.full((N_FRAMES,), N_NODES // N_FRAMES, dtype=jnp.int32)
    return {"Rij": Rij, "idx_i": idx_i, "n_atoms": n_atoms}


def reference(Rij, idx_i, n_atoms):
    # distances = ||Rij||_2 per pair  (filter_key == 'complete')
    distances = jnp.linalg.norm(Rij, axis=1)
    # excluded volume energy per pair: (sigma / R_ij)^exponent
    e_pair = (jnp.reciprocal(distances) * SIGMA) ** EXPONENT
    # aggregate_by_frame: cumulative atom counts define frame boundaries;
    # idx_frame[p] = frame such that cumulative[f] <= idx_i[p] < cumulative[f+1]
    cum = jnp.cumsum(n_atoms)
    idx_frame = jnp.searchsorted(cum, idx_i, side='right').astype(jnp.int32)
    n_frames = n_atoms.shape[0]
    energy = jax.ops.segment_sum(e_pair, idx_frame, num_segments=n_frames)
    return energy * 0.5

if __name__ == "__main__":
    import jax
    _d = setup_inputs()
    print(jax.jit(kernel)(*tuple(_d.values())))

</pallas_src>

<mosaic_0001>
#map = affine_map<(d0, d1) -> (0)>
module attributes {stable_mosaic.version = 14 : i64} {
  func.func @_segment_body(%arg0: i32, %arg1: i32, %arg2: memref<6400000xf32, #tpu.memory_space<hbm>>, %arg3: memref<6400000xi32, #tpu.memory_space<hbm>>, %arg4: memref<16xi32, #tpu.memory_space<hbm>>, %arg5: memref<512xf32, #tpu.memory_space<hbm>>, %arg6: memref<40000xf32, #tpu.memory_space<vmem>>, %arg7: memref<40000xi32, #tpu.memory_space<vmem>>, %arg8: memref<16xi32, #tpu.memory_space<vmem>>, %arg9: memref<256xf32, #tpu.memory_space<vmem>>) attributes {dimension_semantics = [#tpu.dimension_semantics<core_parallel>, #tpu.dimension_semantics<subcore_parallel>], iteration_bounds = array<i64: 2, 16>, scalar_prefetch = 0 : i64, scratch_operands = 4 : i64, tpu.core_type = #tpu.core_type<sc_vector_subcore>, window_params = [{transform_indices = #map}, {transform_indices = #map}, {transform_indices = #map}, {transform_indices = #map}]} {
    %mul3A = arith.constant 16 : i32
    %mul3A_0 = arith.muli %arg0, %mul3A : i32
    %add3A = arith.addi %mul3A_0, %arg1 : i32
    %mul3A_1 = arith.constant 200000 : i32
    %mul3A_2 = arith.muli %add3A, %mul3A_1 : i32
    "tpu.region"() ({
      %run_scoped3A = tpu.sem_alloc : memref<!tpu.dma_semaphore, #tpu.memory_space<semaphore_mem>>
      tpu.enqueue_dma source(%arg4 : memref<16xi32, #tpu.memory_space<hbm>>) target(%arg8 : memref<16xi32, #tpu.memory_space<vmem>>) target_semaphore(%run_scoped3A : memref<!tpu.dma_semaphore, #tpu.memory_space<semaphore_mem>>)
      tpu.wait_dma2 semaphore(%run_scoped3A : memref<!tpu.dma_semaphore, #tpu.memory_space<semaphore_mem>>) src(%arg4 : memref<16xi32, #tpu.memory_space<hbm>>) dst(%arg8 : memref<16xi32, #tpu.memory_space<vmem>>)
      tpu.yield
    }) : () -> ()
    %get3A = arith.constant 0 : index
    %get3A_3 = tpu.vector_load %arg8[%get3A] {strides = array<i32>} : memref<16xi32, #tpu.memory_space<vmem>>, vector<16xi32>,
    %slice3A = vector.extract_strided_slice %get3A_3 {offsets = [0], sizes = [1], strides = [1]} : vector<16xi32> to vector<1xi32>
    %squeeze3A = vector.extract %slice3A[0] : i32 from vector<1xi32>
    %slice3A_4 = vector.extract_strided_slice %get3A_3 {offsets = [1], sizes = [1], strides = [1]} : vector<16xi32> to vector<1xi32>
    %squeeze3A_5 = vector.extract %slice3A_4[0] : i32 from vector<1xi32>
    %slice3A_6 = vector.extract_strided_slice %get3A_3 {offsets = [2], sizes = [1], strides = [1]} : vector<16xi32> to vector<1xi32>
    %squeeze3A_7 = vector.extract %slice3A_6[0] : i32 from vector<1xi32>
    %slice3A_8 = vector.extract_strided_slice %get3A_3 {offsets = [3], sizes = [1], strides = [1]} : vector<16xi32> to vector<1xi32>
    %squeeze3A_9 = vector.extract %slice3A_8[0] : i32 from vector<1xi32>
    %slice3A_10 = vector.extract_strided_slice %get3A_3 {offsets = [4], sizes = [1], strides = [1]} : vector<16xi32> to vector<1xi32>
    %squeeze3A_11 = vector.extract %slice3A_10[0] : i32 from vector<1xi32>
    %slice3A_12 = vector.extract_strided_slice %get3A_3 {offsets = [5], sizes = [1], strides = [1]} : vector<16xi32> to vector<1xi32>
    %squeeze3A_13 = vector.extract %slice3A_12[0] : i32 from vector<1xi32>
    %slice3A_14 = vector.extract_strided_slice %get3A_3 {offsets = [6], sizes = [1], strides = [1]} : vector<16xi32> to vector<1xi32>
    %squeeze3A_15 = vector.extract %slice3A_14[0] : i32 from vector<1xi32>
    %slice3A_16 = vector.extract_strided_slice %get3A_3 {offsets = [7], sizes = [1], strides = [1]} : vector<16xi32> to vector<1xi32>
    %squeeze3A_17 = vector.extract %slice3A_16[0] : i32 from vector<1xi32>
    %slice3A_18 = vector.extract_strided_slice %get3A_3 {offsets = [8], sizes = [1], strides = [1]} : vector<16xi32> to vector<1xi32>
    %squeeze3A_19 = vector.extract %slice3A_18[0] : i32 from vector<1xi32>
    %slice3A_20 = vector.extract_strided_slice %get3A_3 {offsets = [9], sizes = [1], strides = [1]} : vector<16xi32> to vector<1xi32>
    %squeeze3A_21 = vector.extract %slice3A_20[0] : i32 from vector<1xi32>
    %slice3A_22 = vector.extract_strided_slice %get3A_3 {offsets = [10], sizes = [1], strides = [1]} : vector<16xi32> to vector<1xi32>
    %squeeze3A_23 = vector.extract %slice3A_22[0] : i32 from vector<1xi32>
    %slice3A_24 = vector.extract_strided_slice %get3A_3 {offsets = [11], sizes = [1], strides = [1]} : vector<16xi32> to vector<1xi32>
    %squeeze3A_25 = vector.extract %slice3A_24[0] : i32 from vector<1xi32>
    %slice3A_26 = vector.extract_strided_slice %get3A_3 {offsets = [12], sizes = [1], strides = [1]} : vector<16xi32> to vector<1xi32>
    %squeeze3A_27 = vector.extract %slice3A_26[0] : i32 from vector<1xi32>
    %slice3A_28 = vector.extract_strided_slice %get3A_3 {offsets = [13], sizes = [1], strides = [1]} : vector<16xi32> to vector<1xi32>
    %squeeze3A_29 = vector.extract %slice3A_28[0] : i32 from vector<1xi32>
    %slice3A_30 = vector.extract_strided_slice %get3A_3 {offsets = [14], sizes = [1], strides = [1]} : vector<16xi32> to vector<1xi32>
    %squeeze3A_31 = vector.extract %slice3A_30[0] : i32 from vector<1xi32>
    %iota3A = tpu.iota {dimensions = array<i32: 0>} : vector<16xi32>
    %broadcast_in_dim3A = arith.constant 0.000000e+00 : f32
    %broadcast_in_dim3A_32 = vector.broadcast %broadcast_in_dim3A : f32 to vector<16xf32>
    %scan3A = arith.constant 0 : i32
    %scan3A_33 = arith.constant 5 : i32
    %scan3A_34 = arith.addi %scan3A, %scan3A_33 : i32
    %scan3A_35 = arith.constant 1 : i32
    %scan3A_36:16 = scf.for %scan3A_151 = %scan3A to %scan3A_34 step %scan3A_35 iter_args(%scan3A_152 = %broadcast_in_dim3A_32, %scan3A_153 = %broadcast_in_dim3A_32, %scan3A_154 = %broadcast_in_dim3A_32, %scan3A_155 = %broadcast_in_dim3A_32, %scan3A_156 = %broadcast_in_dim3A_32, %scan3A_157 = %broadcast_in_dim3A_32, %scan3A_158 = %broadcast_in_dim3A_32, %scan3A_159 = %broadcast_in_dim3A_32, %scan3A_160 = %broadcast_in_dim3A_32, %scan3A_161 = %broadcast_in_dim3A_32, %scan3A_162 = %broadcast_in_dim3A_32, %scan3A_163 = %broadcast_in_dim3A_32, %scan3A_164 = %broadcast_in_dim3A_32, %scan3A_165 = %broadcast_in_dim3A_32, %scan3A_166 = %broadcast_in_dim3A_32, %scan3A_167 = %broadcast_in_dim3A_32) -> (vector<16xf32>, vector<16xf32>, vector<16xf32>, vector<16xf32>, vector<16xf32>, vector<16xf32>, vector<16xf32>, vector<16xf32>, vector<16xf32>, vector<16xf32>, vector<16xf32>, vector<16xf32>, vector<16xf32>, vector<16xf32>, vector<16xf32>, vector<16xf32>)  : i32 {
      %mul3A_168 = arith.constant 40000 : i32
      %mul3A_169 = arith.muli %scan3A_151, %mul3A_168 : i32
      %add3A_170 = arith.addi %mul3A_2, %mul3A_169 : i32
      "tpu.region"() ({
        %run_scoped3A = tpu.sem_alloc : memref<!tpu.dma_semaphore, #tpu.memory_space<semaphore_mem>>
        %dma_start3A = tpu.memref_slice %arg2[%add3A_170] : memref<6400000xf32, #tpu.memory_space<hbm>> -> memref<40000xf32, #tpu.memory_space<hbm>>
        %dma_start3A_314 = tpu.memref_slice %arg2[%add3A_170] : memref<6400000xf32, #tpu.memory_space<hbm>> -> memref<40000xf32, #tpu.memory_space<hbm>>
        tpu.enqueue_dma source(%dma_start3A_314 : memref<40000xf32, #tpu.memory_space<hbm>>) target(%arg6 : memref<40000xf32, #tpu.memory_space<vmem>>) target_semaphore(%run_scoped3A : memref<!tpu.dma_semaphore, #tpu.memory_space<semaphore_mem>>)
        %dma_wait3A = tpu.memref_slice %arg2[%add3A_170] : memref<6400000xf32, #tpu.memory_space<hbm>> -> memref<40000xf32, #tpu.memory_space<hbm>>
        %dma_wait3A_315 = tpu.memref_slice %arg2[%add3A_170] : memref<6400000xf32, #tpu.memory_space<hbm>> -> memref<40000xf32, #tpu.memory_space<hbm>>
        tpu.wait_dma2 semaphore(%run_scoped3A : memref<!tpu.dma_semaphore, #tpu.memory_space<semaphore_mem>>) src(%dma_wait3A_315 : memref<40000xf32, #tpu.memory_space<hbm>>) dst(%arg6 : memref<40000xf32, #tpu.memory_space<vmem>>)
        tpu.yield
      }) : () -> ()
      "tpu.region"() ({
        %run_scoped3A = tpu.sem_alloc : memref<!tpu.dma_semaphore, #tpu.memory_space<semaphore_mem>>
        %dma_start3A = tpu.memref_slice %arg3[%add3A_170] : memref<6400000xi32, #tpu.memory_space<hbm>> -> memref<40000xi32, #tpu.memory_space<hbm>>
        %dma_start3A_314 = tpu.memref_slice %arg3[%add3A_170] : memref<6400000xi32, #tpu.memory_space<hbm>> -> memref<40000xi32, #tpu.memory_space<hbm>>
        tpu.enqueue_dma source(%dma_start3A_314 : memref<40000xi32, #tpu.memory_space<hbm>>) target(%arg7 : memref<40000xi32, #tpu.memory_space<vmem>>) target_semaphore(%run_scoped3A : memref<!tpu.dma_semaphore, #tpu.memory_space<semaphore_mem>>)
        %dma_wait3A = tpu.memref_slice %arg3[%add3A_170] : memref<6400000xi32, #tpu.memory_space<hbm>> -> memref<40000xi32, #tpu.memory_space<hbm>>
        %dma_wait3A_315 = tpu.memref_slice %arg3[%add3A_170] : memref<6400000xi32, #tpu.memory_space<hbm>> -> memref<40000xi32, #tpu.memory_space<hbm>>
        tpu.wait_dma2 semaphore(%run_scoped3A : memref<!tpu.dma_semaphore, #tpu.memory_space<semaphore_mem>>) src(%dma_wait3A_315 : memref<40000xi32, #tpu.memory_space<hbm>>) dst(%arg7 : memref<40000xi32, #tpu.memory_space<vmem>>)
        tpu.yield
      }) : () -> ()
      %get3A_171 = arith.constant 0 : index
      %get3A_172 = tpu.vector_load %arg7[%get3A_171] {strides = array<i32>} : memref<40000xi32, #tpu.memory_space<vmem>>, vector<16xi32>,
      %slice3A_173 = vector.extract_strided_slice %get3A_172 {offsets = [0], sizes = [1], strides = [1]} : vector<16xi32> to vector<1xi32>
      %squeeze3A_174 = vector.extract %slice3A_173[0] : i32 from vector<1xi32>
      %get3A_175 = arith.constant 39984 : index
      %get3A_176 = tpu.vector_load %arg7[%get3A_175] {strides = array<i32>} : memref<40000xi32, #tpu.memory_space<vmem>>, vector<16xi32>,
      %slice3A_177 = vector.extract_strided_slice %get3A_176 {offsets = [15], sizes = [1], strides = [1]} : vector<16xi32> to vector<1xi32>
      %squeeze3A_178 = vector.extract %slice3A_177[0] : i32 from vector<1xi32>
      %scan3A_179 = arith.constant 0 : i32
      %scan3A_180 = arith.constant 2496 : i32
      %scan3A_181 = arith.addi %scan3A_179, %scan3A_180 : i32
      %scan3A_182 = arith.constant 8 : i32
      %scan3A_183 = scf.for %scan3A_314 = %scan3A_179 to %scan3A_181 step %scan3A_182 iter_args(%scan3A_315 = %broadcast_in_dim3A_32) -> (vector<16xf32>)  : i32 {
        %mul3A_316 = arith.constant 16 : i32
        %mul3A_317 = arith.muli %scan3A_314, %mul3A_316 : i32
        %get3A_318 = arith.index_cast %mul3A_317 : i32 to index
        %get3A_319 = tpu.vector_load %arg6[%get3A_318] {strides = array<i32>} : memref<40000xf32, #tpu.memory_space<vmem>>, vector<16xf32>,
        %add3A_320 = arith.addf %scan3A_315, %get3A_319 : vector<16xf32>
        %scan3A_321 = arith.constant 1 : i32
        %scan3A_322 = arith.addi %scan3A_314, %scan3A_321 : i32
        %mul3A_323 = arith.constant 16 : i32
        %mul3A_324 = arith.muli %scan3A_322, %mul3A_323 : i32
        %get3A_325 = arith.index_cast %mul3A_324 : i32 to index
        %get3A_326 = tpu.vector_load %arg6[%get3A_325] {strides = array<i32>} : memref<40000xf32, #tpu.memory_space<vmem>>, vector<16xf32>,
        %add3A_327 = arith.addf %add3A_320, %get3A_326 : vector<16xf32>
        %scan3A_328 = arith.constant 2 : i32
        %scan3A_329 = arith.addi %scan3A_314, %scan3A_328 : i32
        %mul3A_330 = arith.constant 16 : i32
        %mul3A_331 = arith.muli %scan3A_329, %mul3A_330 : i32
        %get3A_332 = arith.index_cast %mul3A_331 : i32 to index
        %get3A_333 = tpu.vector_load %arg6[%get3A_332] {strides = array<i32>} : memref<40000xf32, #tpu.memory_space<vmem>>, vector<16xf32>,
        %add3A_334 = arith.addf %add3A_327, %get3A_333 : vector<16xf32>
        %scan3A_335 = arith.constant 3 : i32
        %scan3A_336 = arith.addi %scan3A_314, %scan3A_335 : i32
        %mul3A_337 = arith.constant 16 : i32
        %mul3A_338 = arith.muli %scan3A_336, %mul3A_337 : i32
        %get3A_339 = arith.index_cast %mul3A_338 : i32 to index
        %get3A_340 = tpu.vector_load %arg6[%get3A_339] {strides = array<i32>} : memref<40000xf32, #tpu.memory_space<vmem>>, vector<16xf32>,
        %add3A_341 = arith.addf %add3A_334, %get3A_340 : vector<16xf32>
        %scan3A_342 = arith.constant 4 : i32
        %scan3A_343 = arith.addi %scan3A_314, %scan3A_342 : i32
        %mul3A_344 = arith.constant 16 : i32
        %mul3A_345 = arith.muli %scan3A_343, %mul3A_344 : i32
        %get3A_346 = arith.index_cast %mul3A_345 : i32 to index
        %get3A_347 = tpu.vector_load %arg6[%get3A_346] {strides = array<i32>} : memref<40000xf32, #tpu.memory_space<vmem>>, vector<16xf32>,
        %add3A_348 = arith.addf %add3A_341, %get3A_347 : vector<16xf32>
        %scan3A_349 = arith.constant 5 : i32
        %scan3A_350 = arith.addi %scan3A_314, %scan3A_349 : i32
        %mul3A_351 = arith.constant 16 : i32
        %mul3A_352 = arith.muli %scan3A_350, %mul3A_351 : i32
        %get3A_353 = arith.index_cast %mul3A_352 : i32 to index
        %get3A_354 = tpu.vector_load %arg6[%get3A_353] {strides = array<i32>} : memref<40000xf32, #tpu.memory_space<vmem>>, vector<16xf32>,
        %add3A_355 = arith.addf %add3A_348, %get3A_354 : vector<16xf32>
        %scan3A_356 = arith.constant 6 : i32
        %scan3A_357 = arith.addi %scan3A_314, %scan3A_356 : i32
        %mul3A_358 = arith.constant 16 : i32
        %mul3A_359 = arith.muli %scan3A_357, %mul3A_358 : i32
        %get3A_360 = arith.index_cast %mul3A_359 : i32 to index
        %get3A_361 = tpu.vector_load %arg6[%get3A_360] {strides = array<i32>} : memref<40000xf32, #tpu.memory_space<vmem>>, vector<16xf32>,
        %add3A_362 = arith.addf %add3A_355, %get3A_361 : vector<16xf32>
        %scan3A_363 = arith.constant 7 : i32
        %scan3A_364 = arith.addi %scan3A_314, %scan3A_363 : i32
        %mul3A_365 = arith.constant 16 : i32
        %mul3A_366 = arith.muli %scan3A_364, %mul3A_365 : i32
        %get3A_367 = arith.index_cast %mul3A_366 : i32 to index
        %get3A_368 = tpu.vector_load %arg6[%get3A_367] {strides = array<i32>} : memref<40000xf32, #tpu.memory_space<vmem>>, vector<16xf32>,
        %add3A_369 = arith.addf %add3A_362, %get3A_368 : vector<16xf32>
        scf.yield %add3A_369 : vector<16xf32>
      }
      %scan3A_184 = arith.constant 2496 : i32
      %scan3A_185 = arith.addi %scan3A_179, %scan3A_184 : i32
      %mul3A_186 = arith.constant 16 : i32
      %mul3A_187 = arith.muli %scan3A_185, %mul3A_186 : i32
      %get3A_188 = arith.index_cast %mul3A_187 : i32 to index
      %get3A_189 = tpu.vector_load %arg6[%get3A_188] {strides = array<i32>} : memref<40000xf32, #tpu.memory_space<vmem>>, vector<16xf32>,
      %add3A_190 = arith.addf %scan3A_183, %get3A_189 : vector<16xf32>
      %scan3A_191 = arith.constant 2497 : i32
      %scan3A_192 = arith.addi %scan3A_179, %scan3A_191 : i32
      %mul3A_193 = arith.constant 16 : i32
      %mul3A_194 = arith.muli %scan3A_192, %mul3A_193 : i32
      %get3A_195 = arith.index_cast %mul3A_194 : i32 to index
      %get3A_196 = tpu.vector_load %arg6[%get3A_195] {strides = array<i32>} : memref<40000xf32, #tpu.memory_space<vmem>>, vector<16xf32>,
      %add3A_197 = arith.addf %add3A_190, %get3A_196 : vector<16xf32>
      %scan3A_198 = arith.constant 2498 : i32
      %scan3A_199 = arith.addi %scan3A_179, %scan3A_198 : i32
      %mul3A_200 = arith.constant 16 : i32
      %mul3A_201 = arith.muli %scan3A_199, %mul3A_200 : i32
      %get3A_202 = arith.index_cast %mul3A_201 : i32 to index
      %get3A_203 = tpu.vector_load %arg6[%get3A_202] {strides = array<i32>} : memref<40000xf32, #tpu.memory_space<vmem>>, vector<16xf32>,
      %add3A_204 = arith.addf %add3A_197, %get3A_203 : vector<16xf32>
      %scan3A_205 = arith.constant 2499 : i32
      %scan3A_206 = arith.addi %scan3A_179, %scan3A_205 : i32
      %mul3A_207 = arith.constant 16 : i32
      %mul3A_208 = arith.muli %scan3A_206, %mul3A_207 : i32
      %get3A_209 = arith.index_cast %mul3A_208 : i32 to index
      %get3A_210 = tpu.vector_load %arg6[%get3A_209] {strides = array<i32>} : memref<40000xf32, #tpu.memory_space<vmem>>, vector<16xf32>,
      %add3A_211 = arith.addf %add3A_204, %get3A_210 : vector<16xf32>
      %scan3A_212 = arith.constant 2500 : i32
      %gt3A = arith.cmpi sgt, %squeeze3A, %squeeze3A_174 : i32
      %le3A = arith.cmpi sle, %squeeze3A, %squeeze3A_178 : i32
      %and3A = arith.andi %gt3A, %le3A : i1
      %convert_element_type3A = arith.extui %and3A : i1 to i32
      %cond3A = arith.constant 0 : i32
      %cond3A_213 = arith.cmpi ne, %convert_element_type3A, %cond3A : i32
      %cond3A_214 = scf.if %cond3A_213 -> (vector<16xf32>) {
        %scan3A_314 = arith.constant 0 : i32
        %scan3A_315 = arith.constant 2500 : i32
        %scan3A_316 = arith.addi %scan3A_314, %scan3A_315 : i32
        %scan3A_317 = arith.constant 4 : i32
        %scan3A_318 = scf.for %scan3A_321 = %scan3A_314 to %scan3A_316 step %scan3A_317 iter_args(%scan3A_322 = %broadcast_in_dim3A_32) -> (vector<16xf32>)  : i32 {
          %mul3A_323 = arith.constant 16 : i32
          %mul3A_324 = arith.muli %scan3A_321, %mul3A_323 : i32
          %get3A_325 = arith.index_cast %mul3A_324 : i32 to index
          %get3A_326 = tpu.vector_load %arg7[%get3A_325] {strides = array<i32>} : memref<40000xi32, #tpu.memory_space<vmem>>, vector<16xi32>,
          %mul3A_327 = arith.constant 16 : i32
          %mul3A_328 = arith.muli %scan3A_321, %mul3A_327 : i32
          %get3A_329 = arith.index_cast %mul3A_328 : i32 to index
          %get3A_330 = tpu.vector_load %arg6[%get3A_329] {strides = array<i32>} : memref<40000xf32, #tpu.memory_space<vmem>>, vector<16xf32>,
          %lt3A = vector.broadcast %squeeze3A : i32 to vector<16xi32>
          %lt3A_331 = arith.cmpi slt, %get3A_326, %lt3A : vector<16xi32>
          %jit3A = arith.constant 0.000000e+00 : f32
          %broadcast_in_dim3A_332 = vector.broadcast %jit3A : f32 to vector<16xf32>
          %select_n3A = arith.select %lt3A_331, %get3A_330, %broadcast_in_dim3A_332 : vector<16xi1>, vector<16xf32>
          %add3A_333 = arith.addf %scan3A_322, %select_n3A : vector<16xf32>
          %scan3A_334 = arith.constant 1 : i32
          %scan3A_335 = arith.addi %scan3A_321, %scan3A_334 : i32
          %mul3A_336 = arith.constant 16 : i32
          %mul3A_337 = arith.muli %scan3A_335, %mul3A_336 : i32
          %get3A_338 = arith.index_cast %mul3A_337 : i32 to index
          %get3A_339 = tpu.vector_load %arg7[%get3A_338] {strides = array<i32>} : memref<40000xi32, #tpu.memory_space<vmem>>, vector<16xi32>,
          %mul3A_340 = arith.constant 16 : i32
          %mul3A_341 = arith.muli %scan3A_335, %mul3A_340 : i32
          %get3A_342 = arith.index_cast %mul3A_341 : i32 to index
          %get3A_343 = tpu.vector_load %arg6[%get3A_342] {strides = array<i32>} : memref<40000xf32, #tpu.memory_space<vmem>>, vector<16xf32>,
          %lt3A_344 = vector.broadcast %squeeze3A : i32 to vector<16xi32>
          %lt3A_345 = arith.cmpi slt, %get3A_339, %lt3A_344 : vector<16xi32>
          %jit3A_346 = arith.constant 0.000000e+00 : f32
          %broadcast_in_dim3A_347 = vector.broadcast %jit3A_346 : f32 to vector<16xf32>
          %select_n3A_348 = arith.select %lt3A_345, %get3A_343, %broadcast_in_dim3A_347 : vector<16xi1>, vector<16xf32>
          %add3A_349 = arith.addf %add3A_333, %select_n3A_348 : vector<16xf32>
          %scan3A_350 = arith.constant 2 : i32
          %scan3A_351 = arith.addi %scan3A_321, %scan3A_350 : i32
          %mul3A_352 = arith.constant 16 : i32
          %mul3A_353 = arith.muli %scan3A_351, %mul3A_352 : i32
          %get3A_354 = arith.index_cast %mul3A_353 : i32 to index
          %get3A_355 = tpu.vector_load %arg7[%get3A_354] {strides = array<i32>} : memref<40000xi32, #tpu.memory_space<vmem>>, vector<16xi32>,
          %mul3A_356 = arith.constant 16 : i32
          %mul3A_357 = arith.muli %scan3A_351, %mul3A_356 : i32
          %get3A_358 = arith.index_cast %mul3A_357 : i32 to index
          %get3A_359 = tpu.vector_load %arg6[%get3A_358] {strides = array<i32>} : memref<40000xf32, #tpu.memory_space<vmem>>, vector<16xf32>,
          %lt3A_360 = vector.broadcast %squeeze3A : i32 to vector<16xi32>
          %lt3A_361 = arith.cmpi slt, %get3A_355, %lt3A_360 : vector<16xi32>
          %jit3A_362 = arith.constant 0.000000e+00 : f32
          %broadcast_in_dim3A_363 = vector.broadcast %jit3A_362 : f32 to vector<16xf32>
          %select_n3A_364 = arith.select %lt3A_361, %get3A_359, %broadcast_in_dim3A_363 : vector<16xi1>, vector<16xf32>
          %add3A_365 = arith.addf %add3A_349, %select_n3A_364 : vector<16xf32>
          %scan3A_366 = arith.constant 3 : i32
          %scan3A_367 = arith.addi %scan3A_321, %scan3A_366 : i32
          %mul3A_368 = arith.constant 16 : i32
          %mul3A_369 = arith.muli %scan3A_367, %mul3A_368 : i32
          %get3A_370 = arith.index_cast %mul3A_369 : i32 to index
          %get3A_371 = tpu.vector_load %arg7[%get3A_370] {strides = array<i32>} : memref<40000xi32, #tpu.memory_space<vmem>>, vector<16xi32>,
          %mul3A_372 = arith.constant 16 : i32
          %mul3A_373 = arith.muli %scan3A_367, %mul3A_372 : i32
          %get3A_374 = arith.index_cast %mul3A_373 : i32 to index
          %get3A_375 = tpu.vector_load %arg6[%get3A_374] {strides = array<i32>} : memref<40000xf32, #tpu.memory_space<vmem>>, vector<16xf32>,
          %lt3A_376 = vector.broadcast %squeeze3A : i32 to vector<16xi32>
          %lt3A_377 = arith.cmpi slt, %get3A_371, %lt3A_376 : vector<16xi32>
          %jit3A_378 = arith.constant 0.000000e+00 : f32
          %broadcast_in_dim3A_379 = vector.broadcast %jit3A_378 : f32 to vector<16xf32>
          %select_n3A_380 = arith.select %lt3A_377, %get3A_375, %broadcast_in_dim3A_379 : vector<16xi1>, vector<16xf32>
          %add3A_381 = arith.addf %add3A_365, %select_n3A_380 : vector<16xf32>
          scf.yield %add3A_381 : vector<16xf32>
        }
        %scan3A_319 = arith.constant 2500 : i32
        %add3A_320 = arith.addf %scan3A_152, %scan3A_318 : vector<16xf32>
        scf.yield %add3A_320 : vector<16xf32>
      } else {
        %gt3A_314 = arith.cmpi sgt, %squeeze3A, %squeeze3A_178 : i32
        %select_n3A = arith.select %gt3A_314, %add3A_211, %broadcast_in_dim3A_32 : vector<16xf32>
        %add3A_315 = arith.addf %scan3A_152, %select_n3A : vector<16xf32>
        scf.yield %add3A_315 : vector<16xf32>
      }
      %gt3A_215 = arith.cmpi sgt, %squeeze3A_5, %squeeze3A_174 : i32
      %le3A_216 = arith.cmpi sle, %squeeze3A_5, %squeeze3A_178 : i32
      %and3A_217 = arith.andi %gt3A_215, %le3A_216 : i1
      %convert_element_type3A_218 = arith.extui %and3A_217 : i1 to i32
      %cond3A_219 = arith.constant 0 : i32
      %cond3A_220 = arith.cmpi ne, %convert_element_type3A_218, %cond3A_219 : i32
      %cond3A_221 = scf.if %cond3A_220 -> (vector<16xf32>) {
        %scan3A_314 = arith.constant 0 : i32
        %scan3A_315 = arith.constant 2500 : i32
        %scan3A_316 = arith.addi %scan3A_314, %scan3A_315 : i32
        %scan3A_317 = arith.constant 4 : i32
        %scan3A_318 = scf.for %scan3A_321 = %scan3A_314 to %scan3A_316 step %scan3A_317 iter_args(%scan3A_322 = %broadcast_in_dim3A_32) -> (vector<16xf32>)  : i32 {
          %mul3A_323 = arith.constant 16 : i32
          %mul3A_324 = arith.muli %scan3A_321, %mul3A_323 : i32
          %get3A_325 = arith.index_cast %mul3A_324 : i32 to index
          %get3A_326 = tpu.vector_load %arg7[%get3A_325] {strides = array<i32>} : memref<40000xi32, #tpu.memory_space<vmem>>, vector<16xi32>,
          %mul3A_327 = arith.constant 16 : i32
          %mul3A_328 = arith.muli %scan3A_321, %mul3A_327 : i32
          %get3A_329 = arith.index_cast %mul3A_328 : i32 to index
          %get3A_330 = tpu.vector_load %arg6[%get3A_329] {strides = array<i32>} : memref<40000xf32, #tpu.memory_space<vmem>>, vector<16xf32>,
          %lt3A = vector.broadcast %squeeze3A_5 : i32 to vector<16xi32>
          %lt3A_331 = arith.cmpi slt, %get3A_326, %lt3A : vector<16xi32>
          %jit3A = arith.constant 0.000000e+00 : f32
          %broadcast_in_dim3A_332 = vector.broadcast %jit3A : f32 to vector<16xf32>
          %select_n3A = arith.select %lt3A_331, %get3A_330, %broadcast_in_dim3A_332 : vector<16xi1>, vector<16xf32>
          %add3A_333 = arith.addf %scan3A_322, %select_n3A : vector<16xf32>
          %scan3A_334 = arith.constant 1 : i32
          %scan3A_335 = arith.addi %scan3A_321, %scan3A_334 : i32
          %mul3A_336 = arith.constant 16 : i32
          %mul3A_337 = arith.muli %scan3A_335, %mul3A_336 : i32
          %get3A_338 = arith.index_cast %mul3A_337 : i32 to index
          %get3A_339 = tpu.vector_load %arg7[%get3A_338] {strides = array<i32>} : memref<40000xi32, #tpu.memory_space<vmem>>, vector<16xi32>,
          %mul3A_340 = arith.constant 16 : i32
          %mul3A_341 = arith.muli %scan3A_335, %mul3A_340 : i32
          %get3A_342 = arith.index_cast %mul3A_341 : i32 to index
          %get3A_343 = tpu.vector_load %arg6[%get3A_342] {strides = array<i32>} : memref<40000xf32, #tpu.memory_space<vmem>>, vector<16xf32>,
          %lt3A_344 = vector.broadcast %squeeze3A_5 : i32 to vector<16xi32>
          %lt3A_345 = arith.cmpi slt, %get3A_339, %lt3A_344 : vector<16xi32>
          %jit3A_346 = arith.constant 0.000000e+00 : f32
          %broadcast_in_dim3A_347 = vector.broadcast %jit3A_346 : f32 to vector<16xf32>
          %select_n3A_348 = arith.select %lt3A_345, %get3A_343, %broadcast_in_dim3A_347 : vector<16xi1>, vector<16xf32>
          %add3A_349 = arith.addf %add3A_333, %select_n3A_348 : vector<16xf32>
          %scan3A_350 = arith.constant 2 : i32
          %scan3A_351 = arith.addi %scan3A_321, %scan3A_350 : i32
          %mul3A_352 = arith.constant 16 : i32
          %mul3A_353 = arith.muli %scan3A_351, %mul3A_352 : i32
          %get3A_354 = arith.index_cast %mul3A_353 : i32 to index
          %get3A_355 = tpu.vector_load %arg7[%get3A_354] {strides = array<i32>} : memref<40000xi32, #tpu.memory_space<vmem>>, vector<16xi32>,
          %mul3A_356 = arith.constant 16 : i32
          %mul3A_357 = arith.muli %scan3A_351, %mul3A_356 : i32
          %get3A_358 = arith.index_cast %mul3A_357 : i32 to index
          %get3A_359 = tpu.vector_load %arg6[%get3A_358] {strides = array<i32>} : memref<40000xf32, #tpu.memory_space<vmem>>, vector<16xf32>,
          %lt3A_360 = vector.broadcast %squeeze3A_5 : i32 to vector<16xi32>
          %lt3A_361 = arith.cmpi slt, %get3A_355, %lt3A_360 : vector<16xi32>
          %jit3A_362 = arith.constant 0.000000e+00 : f32
          %broadcast_in_dim3A_363 = vector.broadcast %jit3A_362 : f32 to vector<16xf32>
          %select_n3A_364 = arith.select %lt3A_361, %get3A_359, %broadcast_in_dim3A_363 : vector<16xi1>, vector<16xf32>
          %add3A_365 = arith.addf %add3A_349, %select_n3A_364 : vector<16xf32>
          %scan3A_366 = arith.constant 3 : i32
          %scan3A_367 = arith.addi %scan3A_321, %scan3A_366 : i32
          %mul3A_368 = arith.constant 16 : i32
          %mul3A_369 = arith.muli %scan3A_367, %mul3A_368 : i32
          %get3A_370 = arith.index_cast %mul3A_369 : i32 to index
          %get3A_371 = tpu.vector_load %arg7[%get3A_370] {strides = array<i32>} : memref<40000xi32, #tpu.memory_space<vmem>>, vector<16xi32>,
          %mul3A_372 = arith.constant 16 : i32
          %mul3A_373 = arith.muli %scan3A_367, %mul3A_372 : i32
          %get3A_374 = arith.index_cast %mul3A_373 : i32 to index
          %get3A_375 = tpu.vector_load %arg6[%get3A_374] {strides = array<i32>} : memref<40000xf32, #tpu.memory_space<vmem>>, vector<16xf32>,
          %lt3A_376 = vector.broadcast %squeeze3A_5 : i32 to vector<16xi32>
          %lt3A_377 = arith.cmpi slt, %get3A_371, %lt3A_376 : vector<16xi32>
          %jit3A_378 = arith.constant 0.000000e+00 : f32
          %broadcast_in_dim3A_379 = vector.broadcast %jit3A_378 : f32 to vector<16xf32>
          %select_n3A_380 = arith.select %lt3A_377, %get3A_375, %broadcast_in_dim3A_379 : vector<16xi1>, vector<16xf32>
          %add3A_381 = arith.addf %add3A_365, %select_n3A_380 : vector<16xf32>
          scf.yield %add3A_381 : vector<16xf32>
        }
        %scan3A_319 = arith.constant 2500 : i32
        %add3A_320 = arith.addf %scan3A_153, %scan3A_318 : vector<16xf32>
        scf.yield %add3A_320 : vector<16xf32>
      } else {
        %gt3A_314 = arith.cmpi sgt, %squeeze3A_5, %squeeze3A_178 : i32
        %select_n3A = arith.select %gt3A_314, %add3A_211, %broadcast_in_dim3A_32 : vector<16xf32>
        %add3A_315 = arith.addf %scan3A_153, %select_n3A : vector<16xf32>
        scf.yield %add3A_315 : vector<16xf32>
      }
      %gt3A_222 = arith.cmpi sgt, %squeeze3A_7, %squeeze3A_174 : i32
      %le3A_223 = arith.cmpi sle, %squeeze3A_7, %squeeze3A_178 : i32
      %and3A_224 = arith.andi %gt3A_222, %le3A_223 : i1
      %convert_element_type3A_225 = arith.extui %and3A_224 : i1 to i32
      %cond3A_226 = arith.constant 0 : i32
      %cond3A_227 = arith.cmpi ne, %convert_element_type3A_225, %cond3A_226 : i32
      %cond3A_228 = scf.if %cond3A_227 -> (vector<16xf32>) {
        %scan3A_314 = arith.constant 0 : i32
        %scan3A_315 = arith.constant 2500 : i32
        %scan3A_316 = arith.addi %scan3A_314, %scan3A_315 : i32
        %scan3A_317 = arith.constant 4 : i32
        %scan3A_318 = scf.for %scan3A_321 = %scan3A_314 to %scan3A_316 step %scan3A_317 iter_args(%scan3A_322 = %broadcast_in_dim3A_32) -> (vector<16xf32>)  : i32 {
          %mul3A_323 = arith.constant 16 : i32
          %mul3A_324 = arith.muli %scan3A_321, %mul3A_323 : i32
          %get3A_325 = arith.index_cast %mul3A_324 : i32 to index
          %get3A_326 = tpu.vector_load %arg7[%get3A_325] {strides = array<i32>} : memref<40000xi32, #tpu.memory_space<vmem>>, vector<16xi32>,
          %mul3A_327 = arith.constant 16 : i32
          %mul3A_328 = arith.muli %scan3A_321, %mul3A_327 : i32
          %get3A_329 = arith.index_cast %mul3A_328 : i32 to index
          %get3A_330 = tpu.vector_load %arg6[%get3A_329] {strides = array<i32>} : memref<40000xf32, #tpu.memory_space<vmem>>, vector<16xf32>,
          %lt3A = vector.broadcast %squeeze3A_7 : i32 to vector<16xi32>
          %lt3A_331 = arith.cmpi slt, %get3A_326, %lt3A : vector<16xi32>
          %jit3A = arith.constant 0.000000e+00 : f32
          %broadcast_in_dim3A_332 = vector.broadcast %jit3A : f32 to vector<16xf32>
          %select_n3A = arith.select %lt3A_331, %get3A_330, %broadcast_in_dim3A_332 : vector<16xi1>, vector<16xf32>
          %add3A_333 = arith.addf %scan3A_322, %select_n3A : vector<16xf32>
          %scan3A_334 = arith.constant 1 : i32
          %scan3A_335 = arith.addi %scan3A_321, %scan3A_334 : i32
          %mul3A_336 = arith.constant 16 : i32
          %mul3A_337 = arith.muli %scan3A_335, %mul3A_336 : i32
          %get3A_338 = arith.index_cast %mul3A_337 : i32 to index
          %get3A_339 = tpu.vector_load %arg7[%get3A_338] {strides = array<i32>} : memref<40000xi32, #tpu.memory_space<vmem>>, vector<16xi32>,
          %mul3A_340 = arith.constant 16 : i32
          %mul3A_341 = arith.muli %scan3A_335, %mul3A_340 : i32
          %get3A_342 = arith.index_cast %mul3A_341 : i32 to index
          %get3A_343 = tpu.vector_load %arg6[%get3A_342] {strides = array<i32>} : memref<40000xf32, #tpu.memory_space<vmem>>, vector<16xf32>,
          %lt3A_344 = vector.broadcast %squeeze3A_7 : i32 to vector<16xi32>
          %lt3A_345 = arith.cmpi slt, %get3A_339, %lt3A_344 : vector<16xi32>
          %jit3A_346 = arith.constant 0.000000e+00 : f32
          %broadcast_in_dim3A_347 = vector.broadcast %jit3A_346 : f32 to vector<16xf32>
          %select_n3A_348 = arith.select %lt3A_345, %get3A_343, %broadcast_in_dim3A_347 : vector<16xi1>, vector<16xf32>
          %add3A_349 = arith.addf %add3A_333, %select_n3A_348 : vector<16xf32>
          %scan3A_350 = arith.constant 2 : i32
          %scan3A_351 = arith.addi %scan3A_321, %scan3A_350 : i32
          %mul3A_352 = arith.constant 16 : i32
          %mul3A_353 = arith.muli %scan3A_351, %mul3A_352 : i32
          %get3A_354 = arith.index_cast %mul3A_353 : i32 to index
          %get3A_355 = tpu.vector_load %arg7[%get3A_354] {strides = array<i32>} : memref<40000xi32, #tpu.memory_space<vmem>>, vector<16xi32>,
          %mul3A_356 = arith.constant 16 : i32
          %mul3A_357 = arith.muli %scan3A_351, %mul3A_356 : i32
          %get3A_358 = arith.index_cast %mul3A_357 : i32 to index
          %get3A_359 = tpu.vector_load %arg6[%get3A_358] {strides = array<i32>} : memref<40000xf32, #tpu.memory_space<vmem>>, vector<16xf32>,
          %lt3A_360 = vector.broadcast %squeeze3A_7 : i32 to vector<16xi32>
          %lt3A_361 = arith.cmpi slt, %get3A_355, %lt3A_360 : vector<16xi32>
          %jit3A_362 = arith.constant 0.000000e+00 : f32
          %broadcast_in_dim3A_363 = vector.broadcast %jit3A_362 : f32 to vector<16xf32>
          %select_n3A_364 = arith.select %lt3A_361, %get3A_359, %broadcast_in_dim3A_363 : vector<16xi1>, vector<16xf32>
          %add3A_365 = arith.addf %add3A_349, %select_n3A_364 : vector<16xf32>
          %scan3A_366 = arith.constant 3 : i32
          %scan3A_367 = arith.addi %scan3A_321, %scan3A_366 : i32
          %mul3A_368 = arith.constant 16 : i32
          %mul3A_369 = arith.muli %scan3A_367, %mul3A_368 : i32
          %get3A_370 = arith.index_cast %mul3A_369 : i32 to index
          %get3A_371 = tpu.vector_load %arg7[%get3A_370] {strides = array<i32>} : memref<40000xi32, #tpu.memory_space<vmem>>, vector<16xi32>,
          %mul3A_372 = arith.constant 16 : i32
          %mul3A_373 = arith.muli %scan3A_367, %mul3A_372 : i32
          %get3A_374 = arith.index_cast %mul3A_373 : i32 to index
          %get3A_375 = tpu.vector_load %arg6[%get3A_374] {strides = array<i32>} : memref<40000xf32, #tpu.memory_space<vmem>>, vector<16xf32>,
          %lt3A_376 = vector.broadcast %squeeze3A_7 : i32 to vector<16xi32>
          %lt3A_377 = arith.cmpi slt, %get3A_371, %lt3A_376 : vector<16xi32>
          %jit3A_378 = arith.constant 0.000000e+00 : f32
          %broadcast_in_dim3A_379 = vector.broadcast %jit3A_378 : f32 to vector<16xf32>
          %select_n3A_380 = arith.select %lt3A_377, %get3A_375, %broadcast_in_dim3A_379 : vector<16xi1>, vector<16xf32>
          %add3A_381 = arith.addf %add3A_365, %select_n3A_380 : vector<16xf32>
          scf.yield %add3A_381 : vector<16xf32>
        }
        %scan3A_319 = arith.constant 2500 : i32
        %add3A_320 = arith.addf %scan3A_154, %scan3A_318 : vector<16xf32>
        scf.yield %add3A_320 : vector<16xf32>
      } else {
        %gt3A_314 = arith.cmpi sgt, %squeeze3A_7, %squeeze3A_178 : i32
        %select_n3A = arith.select %gt3A_314, %add3A_211, %broadcast_in_dim3A_32 : vector<16xf32>
        %add3A_315 = arith.addf %scan3A_154, %select_n3A : vector<16xf32>
        scf.yield %add3A_315 : vector<16xf32>
      }
      %gt3A_229 = arith.cmpi sgt, %squeeze3A_9, %squeeze3A_174 : i32
      %le3A_230 = arith.cmpi sle, %squeeze3A_9, %squeeze3A_178 : i32
      %and3A_231 = arith.andi %gt3A_229, %le3A_230 : i1
      %convert_element_type3A_232 = arith.extui %and3A_231 : i1 to i32
      %cond3A_233 = arith.constant 0 : i32
      %cond3A_234 = arith.cmpi ne, %convert_element_type3A_232, %cond3A_233 : i32
      %cond3A_235 = scf.if %cond3A_234 -> (vector<16xf32>) {
        %scan3A_314 = arith.constant 0 : i32
        %scan3A_315 = arith.constant 2500 : i32
        %scan3A_316 = arith.addi %scan3A_314, %scan3A_315 : i32
        %scan3A_317 = arith.constant 4 : i32
        %scan3A_318 = scf.for %scan3A_321 = %scan3A_314 to %scan3A_316 step %scan3A_317 iter_args(%scan3A_322 = %broadcast_in_dim3A_32) -> (vector<16xf32>)  : i32 {
          %mul3A_323 = arith.constant 16 : i32
          %mul3A_324 = arith.muli %scan3A_321, %mul3A_323 : i32
          %get3A_325 = arith.index_cast %mul3A_324 : i32 to index
          %get3A_326 = tpu.vector_load %arg7[%get3A_325] {strides = array<i32>} : memref<40000xi32, #tpu.memory_space<vmem>>, vector<16xi32>,
          %mul3A_327 = arith.constant 16 : i32
          %mul3A_328 = arith.muli %scan3A_321, %mul3A_327 : i32
          %get3A_329 = arith.index_cast %mul3A_328 : i32 to index
          %get3A_330 = tpu.vector_load %arg6[%get3A_329] {strides = array<i32>} : memref<40000xf32, #tpu.memory_space<vmem>>, vector<16xf32>,
          %lt3A = vector.broadcast %squeeze3A_9 : i32 to vector<16xi32>
          %lt3A_331 = arith.cmpi slt, %get3A_326, %lt3A : vector<16xi32>
          %jit3A = arith.constant 0.000000e+00 : f32
          %broadcast_in_dim3A_332 = vector.broadcast %jit3A : f32 to vector<16xf32>
          %select_n3A = arith.select %lt3A_331, %get3A_330, %broadcast_in_dim3A_332 : vector<16xi1>, vector<16xf32>
          %add3A_333 = arith.addf %scan3A_322, %select_n3A : vector<16xf32>
          %scan3A_334 = arith.constant 1 : i32
          %scan3A_335 = arith.addi %scan3A_321, %scan3A_334 : i32
          %mul3A_336 = arith.constant 16 : i32
          %mul3A_337 = arith.muli %scan3A_335, %mul3A_336 : i32
          %get3A_338 = arith.index_cast %mul3A_337 : i32 to index
          %get3A_339 = tpu.vector_load %arg7[%get3A_338] {strides = array<i32>} : memref<40000xi32, #tpu.memory_space<vmem>>, vector<16xi32>,
          %mul3A_340 = arith.constant 16 : i32
          %mul3A_341 = arith.muli %scan3A_335, %mul3A_340 : i32
          %get3A_342 = arith.index_cast %mul3A_341 : i32 to index
          %get3A_343 = tpu.vector_load %arg6[%get3A_342] {strides = array<i32>} : memref<40000xf32, #tpu.memory_space<vmem>>, vector<16xf32>,
          %lt3A_344 = vector.broadcast %squeeze3A_9 : i32 to vector<16xi32>
          %lt3A_345 = arith.cmpi slt, %get3A_339, %lt3A_344 : vector<16xi32>
          %jit3A_346 = arith.constant 0.000000e+00 : f32
          %broadcast_in_dim3A_347 = vector.broadcast %jit3A_346 : f32 to vector<16xf32>
          %select_n3A_348 = arith.select %lt3A_345, %get3A_343, %broadcast_in_dim3A_347 : vector<16xi1>, vector<16xf32>
          %add3A_349 = arith.addf %add3A_333, %select_n3A_348 : vector<16xf32>
          %scan3A_350 = arith.constant 2 : i32
          %scan3A_351 = arith.addi %scan3A_321, %scan3A_350 : i32
          %mul3A_352 = arith.constant 16 : i32
          %mul3A_353 = arith.muli %scan3A_351, %mul3A_352 : i32
          %get3A_354 = arith.index_cast %mul3A_353 : i32 to index
          %get3A_355 = tpu.vector_load %arg7[%get3A_354] {strides = array<i32>} : memref<40000xi32, #tpu.memory_space<vmem>>, vector<16xi32>,
          %mul3A_356 = arith.constant 16 : i32
          %mul3A_357 = arith.muli %scan3A_351, %mul3A_356 : i32
          %get3A_358 = arith.index_cast %mul3A_357 : i32 to index
          %get3A_359 = tpu.vector_load %arg6[%get3A_358] {strides = array<i32>} : memref<40000xf32, #tpu.memory_space<vmem>>, vector<16xf32>,
          %lt3A_360 = vector.broadcast %squeeze3A_9 : i32 to vector<16xi32>
          %lt3A_361 = arith.cmpi slt, %get3A_355, %lt3A_360 : vector<16xi32>
          %jit3A_362 = arith.constant 0.000000e+00 : f32
          %broadcast_in_dim3A_363 = vector.broadcast %jit3A_362 : f32 to vector<16xf32>
          %select_n3A_364 = arith.select %lt3A_361, %get3A_359, %broadcast_in_dim3A_363 : vector<16xi1>, vector<16xf32>
          %add3A_365 = arith.addf %add3A_349, %select_n3A_364 : vector<16xf32>
          %scan3A_366 = arith.constant 3 : i32
          %scan3A_367 = arith.addi %scan3A_321, %scan3A_366 : i32
          %mul3A_368 = arith.constant 16 : i32
          %mul3A_369 = arith.muli %scan3A_367, %mul3A_368 : i32
          %get3A_370 = arith.index_cast %mul3A_369 : i32 to index
          %get3A_371 = tpu.vector_load %arg7[%get3A_370] {strides = array<i32>} : memref<40000xi32, #tpu.memory_space<vmem>>, vector<16xi32>,
          %mul3A_372 = arith.constant 16 : i32
          %mul3A_373 = arith.muli %scan3A_367, %mul3A_372 : i32
          %get3A_374 = arith.index_cast %mul3A_373 : i32 to index
          %get3A_375 = tpu.vector_load %arg6[%get3A_374] {strides = array<i32>} : memref<40000xf32, #tpu.memory_space<vmem>>, vector<16xf32>,
          %lt3A_376 = vector.broadcast %squeeze3A_9 : i32 to vector<16xi32>
          %lt3A_377 = arith.cmpi slt, %get3A_371, %lt3A_376 : vector<16xi32>
          %jit3A_378 = arith.constant 0.000000e+00 : f32
          %broadcast_in_dim3A_379 = vector.broadcast %jit3A_378 : f32 to vector<16xf32>
          %select_n3A_380 = arith.select %lt3A_377, %get3A_375, %broadcast_in_dim3A_379 : vector<16xi1>, vector<16xf32>
          %add3A_381 = arith.addf %add3A_365, %select_n3A_380 : vector<16xf32>
          scf.yield %add3A_381 : vector<16xf32>
        }
        %scan3A_319 = arith.constant 2500 : i32
        %add3A_320 = arith.addf %scan3A_155, %scan3A_318 : vector<16xf32>
        scf.yield %add3A_320 : vector<16xf32>
      } else {
        %gt3A_314 = arith.cmpi sgt, %squeeze3A_9, %squeeze3A_178 : i32
        %select_n3A = arith.select %gt3A_314, %add3A_211, %broadcast_in_dim3A_32 : vector<16xf32>
        %add3A_315 = arith.addf %scan3A_155, %select_n3A : vector<16xf32>
        scf.yield %add3A_315 : vector<16xf32>
      }
      %gt3A_236 = arith.cmpi sgt, %squeeze3A_11, %squeeze3A_174 : i32
      %le3A_237 = arith.cmpi sle, %squeeze3A_11, %squeeze3A_178 : i32
      %and3A_238 = arith.andi %gt3A_236, %le3A_237 : i1
      %convert_element_type3A_239 = arith.extui %and3A_238 : i1 to i32
      %cond3A_240 = arith.constant 0 : i32
      %cond3A_241 = arith.cmpi ne, %convert_element_type3A_239, %cond3A_240 : i32
      %cond3A_242 = scf.if %cond3A_241 -> (vector<16xf32>) {
        %scan3A_314 = arith.constant 0 : i32
        %scan3A_315 = arith.constant 2500 : i32
        %scan3A_316 = arith.addi %scan3A_314, %scan3A_315 : i32
        %scan3A_317 = arith.constant 4 : i32
        %scan3A_318 = scf.for %scan3A_321 = %scan3A_314 to %scan3A_316 step %scan3A_317 iter_args(%scan3A_322 = %broadcast_in_dim3A_32) -> (vector<16xf32>)  : i32 {
          %mul3A_323 = arith.constant 16 : i32
          %mul3A_324 = arith.muli %scan3A_321, %mul3A_323 : i32
          %get3A_325 = arith.index_cast %mul3A_324 : i32 to index
          %get3A_326 = tpu.vector_load %arg7[%get3A_325] {strides = array<i32>} : memref<40000xi32, #tpu.memory_space<vmem>>, vector<16xi32>,
          %mul3A_327 = arith.constant 16 : i32
          %mul3A_328 = arith.muli %scan3A_321, %mul3A_327 : i32
          %get3A_329 = arith.index_cast %mul3A_328 : i32 to index
          %get3A_330 = tpu.vector_load %arg6[%get3A_329] {strides = array<i32>} : memref<40000xf32, #tpu.memory_space<vmem>>, vector<16xf32>,
          %lt3A = vector.broadcast %squeeze3A_11 : i32 to vector<16xi32>
          %lt3A_331 = arith.cmpi slt, %get3A_326, %lt3A : vector<16xi32>
          %jit3A = arith.constant 0.000000e+00 : f32
          %broadcast_in_dim3A_332 = vector.broadcast %jit3A : f32 to vector<16xf32>
          %select_n3A = arith.select %lt3A_331, %get3A_330, %broadcast_in_dim3A_332 : vector<16xi1>, vector<16xf32>
          %add3A_333 = arith.addf %scan3A_322, %select_n3A : vector<16xf32>
          %scan3A_334 = arith.constant 1 : i32
          %scan3A_335 = arith.addi %scan3A_321, %scan3A_334 : i32
          %mul3A_336 = arith.constant 16 : i32
          %mul3A_337 = arith.muli %scan3A_335, %mul3A_336 : i32
          %get3A_338 = arith.index_cast %mul3A_337 : i32 to index
          %get3A_339 = tpu.vector_load %arg7[%get3A_338] {strides = array<i32>} : memref<40000xi32, #tpu.memory_space<vmem>>, vector<16xi32>,
          %mul3A_340 = arith.constant 16 : i32
          %mul3A_341 = arith.muli %scan3A_335, %mul3A_340 : i32
          %get3A_342 = arith.index_cast %mul3A_341 : i32 to index
          %get3A_343 = tpu.vector_load %arg6[%get3A_342] {strides = array<i32>} : memref<40000xf32, #tpu.memory_space<vmem>>, vector<16xf32>,
          %lt3A_344 = vector.broadcast %squeeze3A_11 : i32 to vector<16xi32>
          %lt3A_345 = arith.cmpi slt, %get3A_339, %lt3A_344 : vector<16xi32>
          %jit3A_346 = arith.constant 0.000000e+00 : f32
          %broadcast_in_dim3A_347 = vector.broadcast %jit3A_346 : f32 to vector<16xf32>
          %select_n3A_348 = arith.select %lt3A_345, %get3A_343, %broadcast_in_dim3A_347 : vector<16xi1>, vector<16xf32>
          %add3A_349 = arith.addf %add3A_333, %select_n3A_348 : vector<16xf32>
          %scan3A_350 = arith.constant 2 : i32
          %scan3A_351 = arith.addi %scan3A_321, %scan3A_350 : i32
          %mul3A_352 = arith.constant 16 : i32
          %mul3A_353 = arith.muli %scan3A_351, %mul3A_352 : i32
          %get3A_354 = arith.index_cast %mul3A_353 : i32 to index
          %get3A_355 = tpu.vector_load %arg7[%get3A_354] {strides = array<i32>} : memref<40000xi32, #tpu.memory_space<vmem>>, vector<16xi32>,
          %mul3A_356 = arith.constant 16 : i32
          %mul3A_357 = arith.muli %scan3A_351, %mul3A_356 : i32
          %get3A_358 = arith.index_cast %mul3A_357 : i32 to index
          %get3A_359 = tpu.vector_load %arg6[%get3A_358] {strides = array<i32>} : memref<40000xf32, #tpu.memory_space<vmem>>, vector<16xf32>,
          %lt3A_360 = vector.broadcast %squeeze3A_11 : i32 to vector<16xi32>
          %lt3A_361 = arith.cmpi slt, %get3A_355, %lt3A_360 : vector<16xi32>
          %jit3A_362 = arith.constant 0.000000e+00 : f32
          %broadcast_in_dim3A_363 = vector.broadcast %jit3A_362 : f32 to vector<16xf32>
          %select_n3A_364 = arith.select %lt3A_361, %get3A_359, %broadcast_in_dim3A_363 : vector<16xi1>, vector<16xf32>
          %add3A_365 = arith.addf %add3A_349, %select_n3A_364 : vector<16xf32>
          %scan3A_366 = arith.constant 3 : i32
          %scan3A_367 = arith.addi %scan3A_321, %scan3A_366 : i32
          %mul3A_368 = arith.constant 16 : i32
          %mul3A_369 = arith.muli %scan3A_367, %mul3A_368 : i32
          %get3A_370 = arith.index_cast %mul3A_369 : i32 to index
          %get3A_371 = tpu.vector_load %arg7[%get3A_370] {strides = array<i32>} : memref<40000xi32, #tpu.memory_space<vmem>>, vector<16xi32>,
          %mul3A_372 = arith.constant 16 : i32
          %mul3A_373 = arith.muli %scan3A_367, %mul3A_372 : i32
          %get3A_374 = arith.index_cast %mul3A_373 : i32 to index
          %get3A_375 = tpu.vector_load %arg6[%get3A_374] {strides = array<i32>} : memref<40000xf32, #tpu.memory_space<vmem>>, vector<16xf32>,
          %lt3A_376 = vector.broadcast %squeeze3A_11 : i32 to vector<16xi32>
          %lt3A_377 = arith.cmpi slt, %get3A_371, %lt3A_376 : vector<16xi32>
          %jit3A_378 = arith.constant 0.000000e+00 : f32
          %broadcast_in_dim3A_379 = vector.broadcast %jit3A_378 : f32 to vector<16xf32>
          %select_n3A_380 = arith.select %lt3A_377, %get3A_375, %broadcast_in_dim3A_379 : vector<16xi1>, vector<16xf32>
          %add3A_381 = arith.addf %add3A_365, %select_n3A_380 : vector<16xf32>
          scf.yield %add3A_381 : vector<16xf32>
        }
        %scan3A_319 = arith.constant 2500 : i32
        %add3A_320 = arith.addf %scan3A_156, %scan3A_318 : vector<16xf32>
        scf.yield %add3A_320 : vector<16xf32>
      } else {
        %gt3A_314 = arith.cmpi sgt, %squeeze3A_11, %squeeze3A_178 : i32
        %select_n3A = arith.select %gt3A_314, %add3A_211, %broadcast_in_dim3A_32 : vector<16xf32>
        %add3A_315 = arith.addf %scan3A_156, %select_n3A : vector<16xf32>
        scf.yield %add3A_315 : vector<16xf32>
      }
      %gt3A_243 = arith.cmpi sgt, %squeeze3A_13, %squeeze3A_174 : i32
      %le3A_244 = arith.cmpi sle, %squeeze3A_13, %squeeze3A_178 : i32
      %and3A_245 = arith.andi %gt3A_243, %le3A_244 : i1
      %convert_element_type3A_246 = arith.extui %and3A_245 : i1 to i32
      %cond3A_247 = arith.constant 0 : i32
      %cond3A_248 = arith.cmpi ne, %convert_element_type3A_246, %cond3A_247 : i32
      %cond3A_249 = scf.if %cond3A_248 -> (vector<16xf32>) {
        %scan3A_314 = arith.constant 0 : i32
        %scan3A_315 = arith.constant 2500 : i32
        %scan3A_316 = arith.addi %scan3A_314, %scan3A_315 : i32
        %scan3A_317 = arith.constant 4 : i32
        %scan3A_318 = scf.for %scan3A_321 = %scan3A_314 to %scan3A_316 step %scan3A_317 iter_args(%scan3A_322 = %broadcast_in_dim3A_32) -> (vector<16xf32>)  : i32 {
          %mul3A_323 = arith.constant 16 : i32
          %mul3A_324 = arith.muli %scan3A_321, %mul3A_323 : i32
          %get3A_325 = arith.index_cast %mul3A_324 : i32 to index
          %get3A_326 = tpu.vector_load %arg7[%get3A_325] {strides = array<i32>} : memref<40000xi32, #tpu.memory_space<vmem>>, vector<16xi32>,
          %mul3A_327 = arith.constant 16 : i32
          %mul3A_328 = arith.muli %scan3A_321, %mul3A_327 : i32
          %get3A_329 = arith.index_cast %mul3A_328 : i32 to index
          %get3A_330 = tpu.vector_load %arg6[%get3A_329] {strides = array<i32>} : memref<40000xf32, #tpu.memory_space<vmem>>, vector<16xf32>,
          %lt3A = vector.broadcast %squeeze3A_13 : i32 to vector<16xi32>
          %lt3A_331 = arith.cmpi slt, %get3A_326, %lt3A : vector<16xi32>
          %jit3A = arith.constant 0.000000e+00 : f32
          %broadcast_in_dim3A_332 = vector.broadcast %jit3A : f32 to vector<16xf32>
          %select_n3A = arith.select %lt3A_331, %get3A_330, %broadcast_in_dim3A_332 : vector<16xi1>, vector<16xf32>
          %add3A_333 = arith.addf %scan3A_322, %select_n3A : vector<16xf32>
          %scan3A_334 = arith.constant 1 : i32
          %scan3A_335 = arith.addi %scan3A_321, %scan3A_334 : i32
          %mul3A_336 = arith.constant 16 : i32
          %mul3A_337 = arith.muli %scan3A_335, %mul3A_336 : i32
          %get3A_338 = arith.index_cast %mul3A_337 : i32 to index
          %get3A_339 = tpu.vector_load %arg7[%get3A_338] {strides = array<i32>} : memref<40000xi32, #tpu.memory_space<vmem>>, vector<16xi32>,
          %mul3A_340 = arith.constant 16 : i32
          %mul3A_341 = arith.muli %scan3A_335, %mul3A_340 : i32
          %get3A_342 = arith.index_cast %mul3A_341 : i32 to index
          %get3A_343 = tpu.vector_load %arg6[%get3A_342] {strides = array<i32>} : memref<40000xf32, #tpu.memory_space<vmem>>, vector<16xf32>,
          %lt3A_344 = vector.broadcast %squeeze3A_13 : i32 to vector<16xi32>
          %lt3A_345 = arith.cmpi slt, %get3A_339, %lt3A_344 : vector<16xi32>
          %jit3A_346 = arith.constant 0.000000e+00 : f32
          %broadcast_in_dim3A_347 = vector.broadcast %jit3A_346 : f32 to vector<16xf32>
          %select_n3A_348 = arith.select %lt3A_345, %get3A_343, %broadcast_in_dim3A_347 : vector<16xi1>, vector<16xf32>
          %add3A_349 = arith.addf %add3A_333, %select_n3A_348 : vector<16xf32>
          %scan3A_350 = arith.constant 2 : i32
          %scan3A_351 = arith.addi %scan3A_321, %scan3A_350 : i32
          %mul3A_352 = arith.constant 16 : i32
          %mul3A_353 = arith.muli %scan3A_351, %mul3A_352 : i32
          %get3A_354 = arith.index_cast %mul3A_353 : i32 to index
          %get3A_355 = tpu.vector_load %arg7[%get3A_354] {strides = array<i32>} : memref<40000xi32, #tpu.memory_space<vmem>>, vector<16xi32>,
          %mul3A_356 = arith.constant 16 : i32
          %mul3A_357 = arith.muli %scan3A_351, %mul3A_356 : i32
          %get3A_358 = arith.index_cast %mul3A_357 : i32 to index
          %get3A_359 = tpu.vector_load %arg6[%get3A_358] {strides = array<i32>} : memref<40000xf32, #tpu.memory_space<vmem>>, vector<16xf32>,
          %lt3A_360 = vector.broadcast %squeeze3A_13 : i32 to vector<16xi32>
          %lt3A_361 = arith.cmpi slt, %get3A_355, %lt3A_360 : vector<16xi32>
          %jit3A_362 = arith.constant 0.000000e+00 : f32
          %broadcast_in_dim3A_363 = vector.broadcast %jit3A_362 : f32 to vector<16xf32>
          %select_n3A_364 = arith.select %lt3A_361, %get3A_359, %broadcast_in_dim3A_363 : vector<16xi1>, vector<16xf32>
          %add3A_365 = arith.addf %add3A_349, %select_n3A_364 : vector<16xf32>
          %scan3A_366 = arith.constant 3 : i32
          %scan3A_367 = arith.addi %scan3A_321, %scan3A_366 : i32
          %mul3A_368 = arith.constant 16 : i32
          %mul3A_369 = arith.muli %scan3A_367, %mul3A_368 : i32
          %get3A_370 = arith.index_cast %mul3A_369 : i32 to index
          %get3A_371 = tpu.vector_load %arg7[%get3A_370] {strides = array<i32>} : memref<40000xi32, #tpu.memory_space<vmem>>, vector<16xi32>,
          %mul3A_372 = arith.constant 16 : i32
          %mul3A_373 = arith.muli %scan3A_367, %mul3A_372 : i32
          %get3A_374 = arith.index_cast %mul3A_373 : i32 to index
          %get3A_375 = tpu.vector_load %arg6[%get3A_374] {strides = array<i32>} : memref<40000xf32, #tpu.memory_space<vmem>>, vector<16xf32>,
          %lt3A_376 = vector.broadcast %squeeze3A_13 : i32 to vector<16xi32>
          %lt3A_377 = arith.cmpi slt, %get3A_371, %lt3A_376 : vector<16xi32>
          %jit3A_378 = arith.constant 0.000000e+00 : f32
          %broadcast_in_dim3A_379 = vector.broadcast %jit3A_378 : f32 to vector<16xf32>
          %select_n3A_380 = arith.select %lt3A_377, %get3A_375, %broadcast_in_dim3A_379 : vector<16xi1>, vector<16xf32>
          %add3A_381 = arith.addf %add3A_365, %select_n3A_380 : vector<16xf32>
          scf.yield %add3A_381 : vector<16xf32>
        }
        %scan3A_319 = arith.constant 2500 : i32
        %add3A_320 = arith.addf %scan3A_157, %scan3A_318 : vector<16xf32>
        scf.yield %add3A_320 : vector<16xf32>
      } else {
        %gt3A_314 = arith.cmpi sgt, %squeeze3A_13, %squeeze3A_178 : i32
        %select_n3A = arith.select %gt3A_314, %add3A_211, %broadcast_in_dim3A_32 : vector<16xf32>
        %add3A_315 = arith.addf %scan3A_157, %select_n3A : vector<16xf32>
        scf.yield %add3A_315 : vector<16xf32>
      }
      %gt3A_250 = arith.cmpi sgt, %squeeze3A_15, %squeeze3A_174 : i32
      %le3A_251 = arith.cmpi sle, %squeeze3A_15, %squeeze3A_178 : i32
      %and3A_252 = arith.andi %gt3A_250, %le3A_251 : i1
      %convert_element_type3A_253 = arith.extui %and3A_252 : i1 to i32
      %cond3A_254 = arith.constant 0 : i32
      %cond3A_255 = arith.cmpi ne, %convert_element_type3A_253, %cond3A_254 : i32
      %cond3A_256 = scf.if %cond3A_255 -> (vector<16xf32>) {
        %scan3A_314 = arith.constant 0 : i32
        %scan3A_315 = arith.constant 2500 : i32
        %scan3A_316 = arith.addi %scan3A_314, %scan3A_315 : i32
        %scan3A_317 = arith.constant 4 : i32
        %scan3A_318 = scf.for %scan3A_321 = %scan3A_314 to %scan3A_316 step %scan3A_317 iter_args(%scan3A_322 = %broadcast_in_dim3A_32) -> (vector<16xf32>)  : i32 {
          %mul3A_323 = arith.constant 16 : i32
          %mul3A_324 = arith.muli %scan3A_321, %mul3A_323 : i32
          %get3A_325 = arith.index_cast %mul3A_324 : i32 to index
          %get3A_326 = tpu.vector_load %arg7[%get3A_325] {strides = array<i32>} : memref<40000xi32, #tpu.memory_space<vmem>>, vector<16xi32>,
          %mul3A_327 = arith.constant 16 : i32
          %mul3A_328 = arith.muli %scan3A_321, %mul3A_327 : i32
          %get3A_329 = arith.index_cast %mul3A_328 : i32 to index
          %get3A_330 = tpu.vector_load %arg6[%get3A_329] {strides = array<i32>} : memref<40000xf32, #tpu.memory_space<vmem>>, vector<16xf32>,
          %lt3A = vector.broadcast %squeeze3A_15 : i32 to vector<16xi32>
          %lt3A_331 = arith.cmpi slt, %get3A_326, %lt3A : vector<16xi32>
          %jit3A = arith.constant 0.000000e+00 : f32
          %broadcast_in_dim3A_332 = vector.broadcast %jit3A : f32 to vector<16xf32>
          %select_n3A = arith.select %lt3A_331, %get3A_330, %broadcast_in_dim3A_332 : vector<16xi1>, vector<16xf32>
          %add3A_333 = arith.addf %scan3A_322, %select_n3A : vector<16xf32>
          %scan3A_334 = arith.constant 1 : i32
          %scan3A_335 = arith.addi %scan3A_321, %scan3A_334 : i32
          %mul3A_336 = arith.constant 16 : i32
          %mul3A_337 = arith.muli %scan3A_335, %mul3A_336 : i32
          %get3A_338 = arith.index_cast %mul3A_337 : i32 to index
          %get3A_339 = tpu.vector_load %arg7[%get3A_338] {strides = array<i32>} : memref<40000xi32, #tpu.memory_space<vmem>>, vector<16xi32>,
          %mul3A_340 = arith.constant 16 : i32
          %mul3A_341 = arith.muli %scan3A_335, %mul3A_340 : i32
          %get3A_342 = arith.index_cast %mul3A_341 : i32 to index
          %get3A_343 = tpu.vector_load %arg6[%get3A_342] {strides = array<i32>} : memref<40000xf32, #tpu.memory_space<vmem>>, vector<16xf32>,
          %lt3A_344 = vector.broadcast %squeeze3A_15 : i32 to vector<16xi32>
          %lt3A_345 = arith.cmpi slt, %get3A_339, %lt3A_344 : vector<16xi32>
          %jit3A_346 = arith.constant 0.000000e+00 : f32
          %broadcast_in_dim3A_347 = vector.broadcast %jit3A_346 : f32 to vector<16xf32>
          %select_n3A_348 = arith.select %lt3A_345, %get3A_343, %broadcast_in_dim3A_347 : vector<16xi1>, vector<16xf32>
          %add3A_349 = arith.addf %add3A_333, %select_n3A_348 : vector<16xf32>
          %scan3A_350 = arith.constant 2 : i32
          %scan3A_351 = arith.addi %scan3A_321, %scan3A_350 : i32
          %mul3A_352 = arith.constant 16 : i32
          %mul3A_353 = arith.muli %scan3A_351, %mul3A_352 : i32
          %get3A_354 = arith.index_cast %mul3A_353 : i32 to index
          %get3A_355 = tpu.vector_load %arg7[%get3A_354] {strides = array<i32>} : memref<40000xi32, #tpu.memory_space<vmem>>, vector<16xi32>,
          %mul3A_356 = arith.constant 16 : i32
          %mul3A_357 = arith.muli %scan3A_351, %mul3A_356 : i32
          %get3A_358 = arith.index_cast %mul3A_357 : i32 to index
          %get3A_359 = tpu.vector_load %arg6[%get3A_358] {strides = array<i32>} : memref<40000xf32, #tpu.memory_space<vmem>>, vector<16xf32>,
          %lt3A_360 = vector.broadcast %squeeze3A_15 : i32 to vector<16xi32>
          %lt3A_361 = arith.cmpi slt, %get3A_355, %lt3A_360 : vector<16xi32>
          %jit3A_362 = arith.constant 0.000000e+00 : f32
          %broadcast_in_dim3A_363 = vector.broadcast %jit3A_362 : f32 to vector<16xf32>
          %select_n3A_364 = arith.select %lt3A_361, %get3A_359, %broadcast_in_dim3A_363 : vector<16xi1>, vector<16xf32>
          %add3A_365 = arith.addf %add3A_349, %select_n3A_364 : vector<16xf32>
          %scan3A_366 = arith.constant 3 : i32
          %scan3A_367 = arith.addi %scan3A_321, %scan3A_366 : i32
          %mul3A_368 = arith.constant 16 : i32
          %mul3A_369 = arith.muli %scan3A_367, %mul3A_368 : i32
          %get3A_370 = arith.index_cast %mul3A_369 : i32 to index
          %get3A_371 = tpu.vector_load %arg7[%get3A_370] {strides = array<i32>} : memref<40000xi32, #tpu.memory_space<vmem>>, vector<16xi32>,
          %mul3A_372 = arith.constant 16 : i32
          %mul3A_373 = arith.muli %scan3A_367, %mul3A_372 : i32
          %get3A_374 = arith.index_cast %mul3A_373 : i32 to index
          %get3A_375 = tpu.vector_load %arg6[%get3A_374] {strides = array<i32>} : memref<40000xf32, #tpu.memory_space<vmem>>, vector<16xf32>,
          %lt3A_376 = vector.broadcast %squeeze3A_15 : i32 to vector<16xi32>
          %lt3A_377 = arith.cmpi slt, %get3A_371, %lt3A_376 : vector<16xi32>
          %jit3A_378 = arith.constant 0.000000e+00 : f32
          %broadcast_in_dim3A_379 = vector.broadcast %jit3A_378 : f32 to vector<16xf32>
          %select_n3A_380 = arith.select %lt3A_377, %get3A_375, %broadcast_in_dim3A_379 : vector<16xi1>, vector<16xf32>
          %add3A_381 = arith.addf %add3A_365, %select_n3A_380 : vector<16xf32>
          scf.yield %add3A_381 : vector<16xf32>
        }
        %scan3A_319 = arith.constant 2500 : i32
        %add3A_320 = arith.addf %scan3A_158, %scan3A_318 : vector<16xf32>
        scf.yield %add3A_320 : vector<16xf32>
      } else {
        %gt3A_314 = arith.cmpi sgt, %squeeze3A_15, %squeeze3A_178 : i32
        %select_n3A = arith.select %gt3A_314, %add3A_211, %broadcast_in_dim3A_32 : vector<16xf32>
        %add3A_315 = arith.addf %scan3A_158, %select_n3A : vector<16xf32>
        scf.yield %add3A_315 : vector<16xf32>
      }
      %gt3A_257 = arith.cmpi sgt, %squeeze3A_17, %squeeze3A_174 : i32
      %le3A_258 = arith.cmpi sle, %squeeze3A_17, %squeeze3A_178 : i32
      %and3A_259 = arith.andi %gt3A_257, %le3A_258 : i1
      %convert_element_type3A_260 = arith.extui %and3A_259 : i1 to i32
      %cond3A_261 = arith.constant 0 : i32
      %cond3A_262 = arith.cmpi ne, %convert_element_type3A_260, %cond3A_261 : i32
      %cond3A_263 = scf.if %cond3A_262 -> (vector<16xf32>) {
        %scan3A_314 = arith.constant 0 : i32
        %scan3A_315 = arith.constant 2500 : i32
        %scan3A_316 = arith.addi %scan3A_314, %scan3A_315 : i32
        %scan3A_317 = arith.constant 4 : i32
        %scan3A_318 = scf.for %scan3A_321 = %scan3A_314 to %scan3A_316 step %scan3A_317 iter_args(%scan3A_322 = %broadcast_in_dim3A_32) -> (vector<16xf32>)  : i32 {
          %mul3A_323 = arith.constant 16 : i32
          %mul3A_324 = arith.muli %scan3A_321, %mul3A_323 : i32
          %get3A_325 = arith.index_cast %mul3A_324 : i32 to index
          %get3A_326 = tpu.vector_load %arg7[%get3A_325] {strides = array<i32>} : memref<40000xi32, #tpu.memory_space<vmem>>, vector<16xi32>,
          %mul3A_327 = arith.constant 16 : i32
          %mul3A_328 = arith.muli %scan3A_321, %mul3A_327 : i32
          %get3A_329 = arith.index_cast %mul3A_328 : i32 to index
          %get3A_330 = tpu.vector_load %arg6[%get3A_329] {strides = array<i32>} : memref<40000xf32, #tpu.memory_space<vmem>>, vector<16xf32>,
          %lt3A = vector.broadcast %squeeze3A_17 : i32 to vector<16xi32>
          %lt3A_331 = arith.cmpi slt, %get3A_326, %lt3A : vector<16xi32>
          %jit3A = arith.constant 0.000000e+00 : f32
          %broadcast_in_dim3A_332 = vector.broadcast %jit3A : f32 to vector<16xf32>
          %select_n3A = arith.select %lt3A_331, %get3A_330, %broadcast_in_dim3A_332 : vector<16xi1>, vector<16xf32>
          %add3A_333 = arith.addf %scan3A_322, %select_n3A : vector<16xf32>
          %scan3A_334 = arith.constant 1 : i32
          %scan3A_335 = arith.addi %scan3A_321, %scan3A_334 : i32
          %mul3A_336 = arith.constant 16 : i32
          %mul3A_337 = arith.muli %scan3A_335, %mul3A_336 : i32
          %get3A_338 = arith.index_cast %mul3A_337 : i32 to index
          %get3A_339 = tpu.vector_load %arg7[%get3A_338] {strides = array<i32>} : memref<40000xi32, #tpu.memory_space<vmem>>, vector<16xi32>,
          %mul3A_340 = arith.constant 16 : i32
          %mul3A_341 = arith.muli %scan3A_335, %mul3A_340 : i32
          %get3A_342 = arith.index_cast %mul3A_341 : i32 to index
          %get3A_343 = tpu.vector_load %arg6[%get3A_342] {strides = array<i32>} : memref<40000xf32, #tpu.memory_space<vmem>>, vector<16xf32>,
          %lt3A_344 = vector.broadcast %squeeze3A_17 : i32 to vector<16xi32>
          %lt3A_345 = arith.cmpi slt, %get3A_339, %lt3A_344 : vector<16xi32>
          %jit3A_346 = arith.constant 0.000000e+00 : f32
          %broadcast_in_dim3A_347 = vector.broadcast %jit3A_346 : f32 to vector<16xf32>
          %select_n3A_348 = arith.select %lt3A_345, %get3A_343, %broadcast_in_dim3A_347 : vector<16xi1>, vector<16xf32>
          %add3A_349 = arith.addf %add3A_333, %select_n3A_348 : vector<16xf32>
          %scan3A_350 = arith.constant 2 : i32
          %scan3A_351 = arith.addi %scan3A_321, %scan3A_350 : i32
          %mul3A_352 = arith.constant 16 : i32
          %mul3A_353 = arith.muli %scan3A_351, %mul3A_352 : i32
          %get3A_354 = arith.index_cast %mul3A_353 : i32 to index
          %get3A_355 = tpu.vector_load %arg7[%get3A_354] {strides = array<i32>} : memref<40000xi32, #tpu.memory_space<vmem>>, vector<16xi32>,
          %mul3A_356 = arith.constant 16 : i32
          %mul3A_357 = arith.muli %scan3A_351, %mul3A_356 : i32
          %get3A_358 = arith.index_cast %mul3A_357 : i32 to index
          %get3A_359 = tpu.vector_load %arg6[%get3A_358] {strides = array<i32>} : memref<40000xf32, #tpu.memory_space<vmem>>, vector<16xf32>,
          %lt3A_360 = vector.broadcast %squeeze3A_17 : i32 to vector<16xi32>
          %lt3A_361 = arith.cmpi slt, %get3A_355, %lt3A_360 : vector<16xi32>
          %jit3A_362 = arith.constant 0.000000e+00 : f32
          %broadcast_in_dim3A_363 = vector.broadcast %jit3A_362 : f32 to vector<16xf32>
          %select_n3A_364 = arith.select %lt3A_361, %get3A_359, %broadcast_in_dim3A_363 : vector<16xi1>, vector<16xf32>
          %add3A_365 = arith.addf %add3A_349, %select_n3A_364 : vector<16xf32>
          %scan3A_366 = arith.constant 3 : i32
          %scan3A_367 = arith.addi %scan3A_321, %scan3A_366 : i32
          %mul3A_368 = arith.constant 16 : i32
          %mul3A_369 = arith.muli %scan3A_367, %mul3A_368 : i32
          %get3A_370 = arith.index_cast %mul3A_369 : i32 to index
          %get3A_371 = tpu.vector_load %arg7[%get3A_370] {strides = array<i32>} : memref<40000xi32, #tpu.memory_space<vmem>>, vector<16xi32>,
          %mul3A_372 = arith.constant 16 : i32
          %mul3A_373 = arith.muli %scan3A_367, %mul3A_372 : i32
          %get3A_374 = arith.index_cast %mul3A_373 : i32 to index
          %get3A_375 = tpu.vector_load %arg6[%get3A_374] {strides = array<i32>} : memref<40000xf32, #tpu.memory_space<vmem>>, vector<16xf32>,
          %lt3A_376 = vector.broadcast %squeeze3A_17 : i32 to vector<16xi32>
          %lt3A_377 = arith.cmpi slt, %get3A_371, %lt3A_376 : vector<16xi32>
          %jit3A_378 = arith.constant 0.000000e+00 : f32
          %broadcast_in_dim3A_379 = vector.broadcast %jit3A_378 : f32 to vector<16xf32>
          %select_n3A_380 = arith.select %lt3A_377, %get3A_375, %broadcast_in_dim3A_379 : vector<16xi1>, vector<16xf32>
          %add3A_381 = arith.addf %add3A_365, %select_n3A_380 : vector<16xf32>
          scf.yield %add3A_381 : vector<16xf32>
        }
        %scan3A_319 = arith.constant 2500 : i32
        %add3A_320 = arith.addf %scan3A_159, %scan3A_318 : vector<16xf32>
        scf.yield %add3A_320 : vector<16xf32>
      } else {
        %gt3A_314 = arith.cmpi sgt, %squeeze3A_17, %squeeze3A_178 : i32
        %select_n3A = arith.select %gt3A_314, %add3A_211, %broadcast_in_dim3A_32 : vector<16xf32>
        %add3A_315 = arith.addf %scan3A_159, %select_n3A : vector<16xf32>
        scf.yield %add3A_315 : vector<16xf32>
      }
      %gt3A_264 = arith.cmpi sgt, %squeeze3A_19, %squeeze3A_174 : i32
      %le3A_265 = arith.cmpi sle, %squeeze3A_19, %squeeze3A_178 : i32
      %and3A_266 = arith.andi %gt3A_264, %le3A_265 : i1
      %convert_element_type3A_267 = arith.extui %and3A_266 : i1 to i32
      %cond3A_268 = arith.constant 0 : i32
      %cond3A_269 = arith.cmpi ne, %convert_element_type3A_267, %cond3A_268 : i32
      %cond3A_270 = scf.if %cond3A_269 -> (vector<16xf32>) {
        %scan3A_314 = arith.constant 0 : i32
        %scan3A_315 = arith.constant 2500 : i32
        %scan3A_316 = arith.addi %scan3A_314, %scan3A_315 : i32
        %scan3A_317 = arith.constant 4 : i32
        %scan3A_318 = scf.for %scan3A_321 = %scan3A_314 to %scan3A_316 step %scan3A_317 iter_args(%scan3A_322 = %broadcast_in_dim3A_32) -> (vector<16xf32>)  : i32 {
          %mul3A_323 = arith.constant 16 : i32
          %mul3A_324 = arith.muli %scan3A_321, %mul3A_323 : i32
          %get3A_325 = arith.index_cast %mul3A_324 : i32 to index
          %get3A_326 = tpu.vector_load %arg7[%get3A_325] {strides = array<i32>} : memref<40000xi32, #tpu.memory_space<vmem>>, vector<16xi32>,
          %mul3A_327 = arith.constant 16 : i32
          %mul3A_328 = arith.muli %scan3A_321, %mul3A_327 : i32
          %get3A_329 = arith.index_cast %mul3A_328 : i32 to index
          %get3A_330 = tpu.vector_load %arg6[%get3A_329] {strides = array<i32>} : memref<40000xf32, #tpu.memory_space<vmem>>, vector<16xf32>,
          %lt3A = vector.broadcast %squeeze3A_19 : i32 to vector<16xi32>
          %lt3A_331 = arith.cmpi slt, %get3A_326, %lt3A : vector<16xi32>
          %jit3A = arith.constant 0.000000e+00 : f32
          %broadcast_in_dim3A_332 = vector.broadcast %jit3A : f32 to vector<16xf32>
          %select_n3A = arith.select %lt3A_331, %get3A_330, %broadcast_in_dim3A_332 : vector<16xi1>, vector<16xf32>
          %add3A_333 = arith.addf %scan3A_322, %select_n3A : vector<16xf32>
          %scan3A_334 = arith.constant 1 : i32
          %scan3A_335 = arith.addi %scan3A_321, %scan3A_334 : i32
          %mul3A_336 = arith.constant 16 : i32
          %mul3A_337 = arith.muli %scan3A_335, %mul3A_336 : i32
          %get3A_338 = arith.index_cast %mul3A_337 : i32 to index
          %get3A_339 = tpu.vector_load %arg7[%get3A_338] {strides = array<i32>} : memref<40000xi32, #tpu.memory_space<vmem>>, vector<16xi32>,
          %mul3A_340 = arith.constant 16 : i32
          %mul3A_341 = arith.muli %scan3A_335, %mul3A_340 : i32
          %get3A_342 = arith.index_cast %mul3A_341 : i32 to index
          %get3A_343 = tpu.vector_load %arg6[%get3A_342] {strides = array<i32>} : memref<40000xf32, #tpu.memory_space<vmem>>, vector<16xf32>,
          %lt3A_344 = vector.broadcast %squeeze3A_19 : i32 to vector<16xi32>
          %lt3A_345 = arith.cmpi slt, %get3A_339, %lt3A_344 : vector<16xi32>
          %jit3A_346 = arith.constant 0.000000e+00 : f32
          %broadcast_in_dim3A_347 = vector.broadcast %jit3A_346 : f32 to vector<16xf32>
          %select_n3A_348 = arith.select %lt3A_345, %get3A_343, %broadcast_in_dim3A_347 : vector<16xi1>, vector<16xf32>
          %add3A_349 = arith.addf %add3A_333, %select_n3A_348 : vector<16xf32>
          %scan3A_350 = arith.constant 2 : i32
          %scan3A_351 = arith.addi %scan3A_321, %scan3A_350 : i32
          %mul3A_352 = arith.constant 16 : i32
          %mul3A_353 = arith.muli %scan3A_351, %mul3A_352 : i32
          %get3A_354 = arith.index_cast %mul3A_353 : i32 to index
          %get3A_355 = tpu.vector_load %arg7[%get3A_354] {strides = array<i32>} : memref<40000xi32, #tpu.memory_space<vmem>>, vector<16xi32>,
          %mul3A_356 = arith.constant 16 : i32
          %mul3A_357 = arith.muli %scan3A_351, %mul3A_356 : i32
          %get3A_358 = arith.index_cast %mul3A_357 : i32 to index
          %get3A_359 = tpu.vector_load %arg6[%get3A_358] {strides = array<i32>} : memref<40000xf32, #tpu.memory_space<vmem>>, vector<16xf32>,
          %lt3A_360 = vector.broadcast %squeeze3A_19 : i32 to vector<16xi32>
          %lt3A_361 = arith.cmpi slt, %get3A_355, %lt3A_360 : vector<16xi32>
          %jit3A_362 = arith.constant 0.000000e+00 : f32
          %broadcast_in_dim3A_363 = vector.broadcast %jit3A_362 : f32 to vector<16xf32>
          %select_n3A_364 = arith.select %lt3A_361, %get3A_359, %broadcast_in_dim3A_363 : vector<16xi1>, vector<16xf32>
          %add3A_365 = arith.addf %add3A_349, %select_n3A_364 : vector<16xf32>
          %scan3A_366 = arith.constant 3 : i32
          %scan3A_367 = arith.addi %scan3A_321, %scan3A_366 : i32
          %mul3A_368 = arith.constant 16 : i32
          %mul3A_369 = arith.muli %scan3A_367, %mul3A_368 : i32
          %get3A_370 = arith.index_cast %mul3A_369 : i32 to index
          %get3A_371 = tpu.vector_load %arg7[%get3A_370] {strides = array<i32>} : memref<40000xi32, #tpu.memory_space<vmem>>, vector<16xi32>,
          %mul3A_372 = arith.constant 16 : i32
          %mul3A_373 = arith.muli %scan3A_367, %mul3A_372 : i32
          %get3A_374 = arith.index_cast %mul3A_373 : i32 to index
          %get3A_375 = tpu.vector_load %arg6[%get3A_374] {strides = array<i32>} : memref<40000xf32, #tpu.memory_space<vmem>>, vector<16xf32>,
          %lt3A_376 = vector.broadcast %squeeze3A_19 : i32 to vector<16xi32>
          %lt3A_377 = arith.cmpi slt, %get3A_371, %lt3A_376 : vector<16xi32>
          %jit3A_378 = arith.constant 0.000000e+00 : f32
          %broadcast_in_dim3A_379 = vector.broadcast %jit3A_378 : f32 to vector<16xf32>
          %select_n3A_380 = arith.select %lt3A_377, %get3A_375, %broadcast_in_dim3A_379 : vector<16xi1>, vector<16xf32>
          %add3A_381 = arith.addf %add3A_365, %select_n3A_380 : vector<16xf32>
          scf.yield %add3A_381 : vector<16xf32>
        }
        %scan3A_319 = arith.constant 2500 : i32
        %add3A_320 = arith.addf %scan3A_160, %scan3A_318 : vector<16xf32>
        scf.yield %add3A_320 : vector<16xf32>
      } else {
        %gt3A_314 = arith.cmpi sgt, %squeeze3A_19, %squeeze3A_178 : i32
        %select_n3A = arith.select %gt3A_314, %add3A_211, %broadcast_in_dim3A_32 : vector<16xf32>
        %add3A_315 = arith.addf %scan3A_160, %select_n3A : vector<16xf32>
        scf.yield %add3A_315 : vector<16xf32>
      }
      %gt3A_271 = arith.cmpi sgt, %squeeze3A_21, %squeeze3A_174 : i32
      %le3A_272 = arith.cmpi sle, %squeeze3A_21, %squeeze3A_178 : i32
      %and3A_273 = arith.andi %gt3A_271, %le3A_272 : i1
      %convert_element_type3A_274 = arith.extui %and3A_273 : i1 to i32
      %cond3A_275 = arith.constant 0 : i32
      %cond3A_276 = arith.cmpi ne, %convert_element_type3A_274, %cond3A_275 : i32
      %cond3A_277 = scf.if %cond3A_276 -> (vector<16xf32>) {
        %scan3A_314 = arith.constant 0 : i32
        %scan3A_315 = arith.constant 2500 : i32
        %scan3A_316 = arith.addi %scan3A_314, %scan3A_315 : i32
        %scan3A_317 = arith.constant 4 : i32
        %scan3A_318 = scf.for %scan3A_321 = %scan3A_314 to %scan3A_316 step %scan3A_317 iter_args(%scan3A_322 = %broadcast_in_dim3A_32) -> (vector<16xf32>)  : i32 {
          %mul3A_323 = arith.constant 16 : i32
          %mul3A_324 = arith.muli %scan3A_321, %mul3A_323 : i32
          %get3A_325 = arith.index_cast %mul3A_324 : i32 to index
          %get3A_326 = tpu.vector_load %arg7[%get3A_325] {strides = array<i32>} : memref<40000xi32, #tpu.memory_space<vmem>>, vector<16xi32>,
          %mul3A_327 = arith.constant 16 : i32
          %mul3A_328 = arith.muli %scan3A_321, %mul3A_327 : i32
          %get3A_329 = arith.index_cast %mul3A_328 : i32 to index
          %get3A_330 = tpu.vector_load %arg6[%get3A_329] {strides = array<i32>} : memref<40000xf32, #tpu.memory_space<vmem>>, vector<16xf32>,
          %lt3A = vector.broadcast %squeeze3A_21 : i32 to vector<16xi32>
          %lt3A_331 = arith.cmpi slt, %get3A_326, %lt3A : vector<16xi32>
          %jit3A = arith.constant 0.000000e+00 : f32
          %broadcast_in_dim3A_332 = vector.broadcast %jit3A : f32 to vector<16xf32>
          %select_n3A = arith.select %lt3A_331, %get3A_330, %broadcast_in_dim3A_332 : vector<16xi1>, vector<16xf32>
          %add3A_333 = arith.addf %scan3A_322, %select_n3A : vector<16xf32>
          %scan3A_334 = arith.constant 1 : i32
          %scan3A_335 = arith.addi %scan3A_321, %scan3A_334 : i32
          %mul3A_336 = arith.constant 16 : i32
          %mul3A_337 = arith.muli %scan3A_335, %mul3A_336 : i32
          %get3A_338 = arith.index_cast %mul3A_337 : i32 to index
          %get3A_339 = tpu.vector_load %arg7[%get3A_338] {strides = array<i32>} : memref<40000xi32, #tpu.memory_space<vmem>>, vector<16xi32>,
          %mul3A_340 = arith.constant 16 : i32
          %mul3A_341 = arith.muli %scan3A_335, %mul3A_340 : i32
          %get3A_342 = arith.index_cast %mul3A_341 : i32 to index
          %get3A_343 = tpu.vector_load %arg6[%get3A_342] {strides = array<i32>} : memref<40000xf32, #tpu.memory_space<vmem>>, vector<16xf32>,
          %lt3A_344 = vector.broadcast %squeeze3A_21 : i32 to vector<16xi32>
          %lt3A_345 = arith.cmpi slt, %get3A_339, %lt3A_344 : vector<16xi32>
          %jit3A_346 = arith.constant 0.000000e+00 : f32
          %broadcast_in_dim3A_347 = vector.broadcast %jit3A_346 : f32 to vector<16xf32>
          %select_n3A_348 = arith.select %lt3A_345, %get3A_343, %broadcast_in_dim3A_347 : vector<16xi1>, vector<16xf32>
          %add3A_349 = arith.addf %add3A_333, %select_n3A_348 : vector<16xf32>
          %scan3A_350 = arith.constant 2 : i32
          %scan3A_351 = arith.addi %scan3A_321, %scan3A_350 : i32
          %mul3A_352 = arith.constant 16 : i32
          %mul3A_353 = arith.muli %scan3A_351, %mul3A_352 : i32
          %get3A_354 = arith.index_cast %mul3A_353 : i32 to index
          %get3A_355 = tpu.vector_load %arg7[%get3A_354] {strides = array<i32>} : memref<40000xi32, #tpu.memory_space<vmem>>, vector<16xi32>,
          %mul3A_356 = arith.constant 16 : i32
          %mul3A_357 = arith.muli %scan3A_351, %mul3A_356 : i32
          %get3A_358 = arith.index_cast %mul3A_357 : i32 to index
          %get3A_359 = tpu.vector_load %arg6[%get3A_358] {strides = array<i32>} : memref<40000xf32, #tpu.memory_space<vmem>>, vector<16xf32>,
          %lt3A_360 = vector.broadcast %squeeze3A_21 : i32 to vector<16xi32>
          %lt3A_361 = arith.cmpi slt, %get3A_355, %lt3A_360 : vector<16xi32>
          %jit3A_362 = arith.constant 0.000000e+00 : f32
          %broadcast_in_dim3A_363 = vector.broadcast %jit3A_362 : f32 to vector<16xf32>
          %select_n3A_364 = arith.select %lt3A_361, %get3A_359, %broadcast_in_dim3A_363 : vector<16xi1>, vector<16xf32>
          %add3A_365 = arith.addf %add3A_349, %select_n3A_364 : vector<16xf32>
          %scan3A_366 = arith.constant 3 : i32
          %scan3A_367 = arith.addi %scan3A_321, %scan3A_366 : i32
          %mul3A_368 = arith.constant 16 : i32
          %mul3A_369 = arith.muli %scan3A_367, %mul3A_368 : i32
          %get3A_370 = arith.index_cast %mul3A_369 : i32 to index
          %get3A_371 = tpu.vector_load %arg7[%get3A_370] {strides = array<i32>} : memref<40000xi32, #tpu.memory_space<vmem>>, vector<16xi32>,
          %mul3A_372 = arith.constant 16 : i32
          %mul3A_373 = arith.muli %scan3A_367, %mul3A_372 : i32
          %get3A_374 = arith.index_cast %mul3A_373 : i32 to index
          %get3A_375 = tpu.vector_load %arg6[%get3A_374] {strides = array<i32>} : memref<40000xf32, #tpu.memory_space<vmem>>, vector<16xf32>,
          %lt3A_376 = vector.broadcast %squeeze3A_21 : i32 to vector<16xi32>
          %lt3A_377 = arith.cmpi slt, %get3A_371, %lt3A_376 : vector<16xi32>
          %jit3A_378 = arith.constant 0.000000e+00 : f32
          %broadcast_in_dim3A_379 = vector.broadcast %jit3A_378 : f32 to vector<16xf32>
          %select_n3A_380 = arith.select %lt3A_377, %get3A_375, %broadcast_in_dim3A_379 : vector<16xi1>, vector<16xf32>
          %add3A_381 = arith.addf %add3A_365, %select_n3A_380 : vector<16xf32>
          scf.yield %add3A_381 : vector<16xf32>
        }
        %scan3A_319 = arith.constant 2500 : i32
        %add3A_320 = arith.addf %scan3A_161, %scan3A_318 : vector<16xf32>
        scf.yield %add3A_320 : vector<16xf32>
      } else {
        %gt3A_314 = arith.cmpi sgt, %squeeze3A_21, %squeeze3A_178 : i32
        %select_n3A = arith.select %gt3A_314, %add3A_211, %broadcast_in_dim3A_32 : vector<16xf32>
        %add3A_315 = arith.addf %scan3A_161, %select_n3A : vector<16xf32>
        scf.yield %add3A_315 : vector<16xf32>
      }
      %gt3A_278 = arith.cmpi sgt, %squeeze3A_23, %squeeze3A_174 : i32
      %le3A_279 = arith.cmpi sle, %squeeze3A_23, %squeeze3A_178 : i32
      %and3A_280 = arith.andi %gt3A_278, %le3A_279 : i1
      %convert_element_type3A_281 = arith.extui %and3A_280 : i1 to i32
      %cond3A_282 = arith.constant 0 : i32
      %cond3A_283 = arith.cmpi ne, %convert_element_type3A_281, %cond3A_282 : i32
      %cond3A_284 = scf.if %cond3A_283 -> (vector<16xf32>) {
        %scan3A_314 = arith.constant 0 : i32
        %scan3A_315 = arith.constant 2500 : i32
        %scan3A_316 = arith.addi %scan3A_314, %scan3A_315 : i32
        %scan3A_317 = arith.constant 4 : i32
        %scan3A_318 = scf.for %scan3A_321 = %scan3A_314 to %scan3A_316 step %scan3A_317 iter_args(%scan3A_322 = %broadcast_in_dim3A_32) -> (vector<16xf32>)  : i32 {
          %mul3A_323 = arith.constant 16 : i32
          %mul3A_324 = arith.muli %scan3A_321, %mul3A_323 : i32
          %get3A_325 = arith.index_cast %mul3A_324 : i32 to index
          %get3A_326 = tpu.vector_load %arg7[%get3A_325] {strides = array<i32>} : memref<40000xi32, #tpu.memory_space<vmem>>, vector<16xi32>,
          %mul3A_327 = arith.constant 16 : i32
          %mul3A_328 = arith.muli %scan3A_321, %mul3A_327 : i32
          %get3A_329 = arith.index_cast %mul3A_328 : i32 to index
          %get3A_330 = tpu.vector_load %arg6[%get3A_329] {strides = array<i32>} : memref<40000xf32, #tpu.memory_space<vmem>>, vector<16xf32>,
          %lt3A = vector.broadcast %squeeze3A_23 : i32 to vector<16xi32>
          %lt3A_331 = arith.cmpi slt, %get3A_326, %lt3A : vector<16xi32>
          %jit3A = arith.constant 0.000000e+00 : f32
          %broadcast_in_dim3A_332 = vector.broadcast %jit3A : f32 to vector<16xf32>
          %select_n3A = arith.select %lt3A_331, %get3A_330, %broadcast_in_dim3A_332 : vector<16xi1>, vector<16xf32>
          %add3A_333 = arith.addf %scan3A_322, %select_n3A : vector<16xf32>
          %scan3A_334 = arith.constant 1 : i32
          %scan3A_335 = arith.addi %scan3A_321, %scan3A_334 : i32
          %mul3A_336 = arith.constant 16 : i32
          %mul3A_337 = arith.muli %scan3A_335, %mul3A_336 : i32
          %get3A_338 = arith.index_cast %mul3A_337 : i32 to index
          %get3A_339 = tpu.vector_load %arg7[%get3A_338] {strides = array<i32>} : memref<40000xi32, #tpu.memory_space<vmem>>, vector<16xi32>,
          %mul3A_340 = arith.constant 16 : i32
          %mul3A_341 = arith.muli %scan3A_335, %mul3A_340 : i32
          %get3A_342 = arith.index_cast %mul3A_341 : i32 to index
          %get3A_343 = tpu.vector_load %arg6[%get3A_342] {strides = array<i32>} : memref<40000xf32, #tpu.memory_space<vmem>>, vector<16xf32>,
          %lt3A_344 = vector.broadcast %squeeze3A_23 : i32 to vector<16xi32>
          %lt3A_345 = arith.cmpi slt, %get3A_339, %lt3A_344 : vector<16xi32>
          %jit3A_346 = arith.constant 0.000000e+00 : f32
          %broadcast_in_dim3A_347 = vector.broadcast %jit3A_346 : f32 to vector<16xf32>
          %select_n3A_348 = arith.select %lt3A_345, %get3A_343, %broadcast_in_dim3A_347 : vector<16xi1>, vector<16xf32>
          %add3A_349 = arith.addf %add3A_333, %select_n3A_348 : vector<16xf32>
          %scan3A_350 = arith.constant 2 : i32
          %scan3A_351 = arith.addi %scan3A_321, %scan3A_350 : i32
          %mul3A_352 = arith.constant 16 : i32
          %mul3A_353 = arith.muli %scan3A_351, %mul3A_352 : i32
          %get3A_354 = arith.index_cast %mul3A_353 : i32 to index
          %get3A_355 = tpu.vector_load %arg7[%get3A_354] {strides = array<i32>} : memref<40000xi32, #tpu.memory_space<vmem>>, vector<16xi32>,
          %mul3A_356 = arith.constant 16 : i32
          %mul3A_357 = arith.muli %scan3A_351, %mul3A_356 : i32
          %get3A_358 = arith.index_cast %mul3A_357 : i32 to index
          %get3A_359 = tpu.vector_load %arg6[%get3A_358] {strides = array<i32>} : memref<40000xf32, #tpu.memory_space<vmem>>, vector<16xf32>,
          %lt3A_360 = vector.broadcast %squeeze3A_23 : i32 to vector<16xi32>
          %lt3A_361 = arith.cmpi slt, %get3A_355, %lt3A_360 : vector<16xi32>
          %jit3A_362 = arith.constant 0.000000e+00 : f32
          %broadcast_in_dim3A_363 = vector.broadcast %jit3A_362 : f32 to vector<16xf32>
          %select_n3A_364 = arith.select %lt3A_361, %get3A_359, %broadcast_in_dim3A_363 : vector<16xi1>, vector<16xf32>
          %add3A_365 = arith.addf %add3A_349, %select_n3A_364 : vector<16xf32>
          %scan3A_366 = arith.constant 3 : i32
          %scan3A_367 = arith.addi %scan3A_321, %scan3A_366 : i32
          %mul3A_368 = arith.constant 16 : i32
          %mul3A_369 = arith.muli %scan3A_367, %mul3A_368 : i32
          %get3A_370 = arith.index_cast %mul3A_369 : i32 to index
          %get3A_371 = tpu.vector_load %arg7[%get3A_370] {strides = array<i32>} : memref<40000xi32, #tpu.memory_space<vmem>>, vector<16xi32>,
          %mul3A_372 = arith.constant 16 : i32
          %mul3A_373 = arith.muli %scan3A_367, %mul3A_372 : i32
          %get3A_374 = arith.index_cast %mul3A_373 : i32 to index
          %get3A_375 = tpu.vector_load %arg6[%get3A_374] {strides = array<i32>} : memref<40000xf32, #tpu.memory_space<vmem>>, vector<16xf32>,
          %lt3A_376 = vector.broadcast %squeeze3A_23 : i32 to vector<16xi32>
          %lt3A_377 = arith.cmpi slt, %get3A_371, %lt3A_376 : vector<16xi32>
          %jit3A_378 = arith.constant 0.000000e+00 : f32
          %broadcast_in_dim3A_379 = vector.broadcast %jit3A_378 : f32 to vector<16xf32>
          %select_n3A_380 = arith.select %lt3A_377, %get3A_375, %broadcast_in_dim3A_379 : vector<16xi1>, vector<16xf32>
          %add3A_381 = arith.addf %add3A_365, %select_n3A_380 : vector<16xf32>
          scf.yield %add3A_381 : vector<16xf32>
        }
        %scan3A_319 = arith.constant 2500 : i32
        %add3A_320 = arith.addf %scan3A_162, %scan3A_318 : vector<16xf32>
        scf.yield %add3A_320 : vector<16xf32>
      } else {
        %gt3A_314 = arith.cmpi sgt, %squeeze3A_23, %squeeze3A_178 : i32
        %select_n3A = arith.select %gt3A_314, %add3A_211, %broadcast_in_dim3A_32 : vector<16xf32>
        %add3A_315 = arith.addf %scan3A_162, %select_n3A : vector<16xf32>
        scf.yield %add3A_315 : vector<16xf32>
      }
      %gt3A_285 = arith.cmpi sgt, %squeeze3A_25, %squeeze3A_174 : i32
      %le3A_286 = arith.cmpi sle, %squeeze3A_25, %squeeze3A_178 : i32
      %and3A_287 = arith.andi %gt3A_285, %le3A_286 : i1
      %convert_element_type3A_288 = arith.extui %and3A_287 : i1 to i32
      %cond3A_289 = arith.constant 0 : i32
      %cond3A_290 = arith.cmpi ne, %convert_element_type3A_288, %cond3A_289 : i32
      %cond3A_291 = scf.if %cond3A_290 -> (vector<16xf32>) {
        %scan3A_314 = arith.constant 0 : i32
        %scan3A_315 = arith.constant 2500 : i32
        %scan3A_316 = arith.addi %scan3A_314, %scan3A_315 : i32
        %scan3A_317 = arith.constant 4 : i32
        %scan3A_318 = scf.for %scan3A_321 = %scan3A_314 to %scan3A_316 step %scan3A_317 iter_args(%scan3A_322 = %broadcast_in_dim3A_32) -> (vector<16xf32>)  : i32 {
          %mul3A_323 = arith.constant 16 : i32
          %mul3A_324 = arith.muli %scan3A_321, %mul3A_323 : i32
          %get3A_325 = arith.index_cast %mul3A_324 : i32 to index
          %get3A_326 = tpu.vector_load %arg7[%get3A_325] {strides = array<i32>} : memref<40000xi32, #tpu.memory_space<vmem>>, vector<16xi32>,
          %mul3A_327 = arith.constant 16 : i32
          %mul3A_328 = arith.muli %scan3A_321, %mul3A_327 : i32
          %get3A_329 = arith.index_cast %mul3A_328 : i32 to index
          %get3A_330 = tpu.vector_load %arg6[%get3A_329] {strides = array<i32>} : memref<40000xf32, #tpu.memory_space<vmem>>, vector<16xf32>,
          %lt3A = vector.broadcast %squeeze3A_25 : i32 to vector<16xi32>
          %lt3A_331 = arith.cmpi slt, %get3A_326, %lt3A : vector<16xi32>
          %jit3A = arith.constant 0.000000e+00 : f32
          %broadcast_in_dim3A_332 = vector.broadcast %jit3A : f32 to vector<16xf32>
          %select_n3A = arith.select %lt3A_331, %get3A_330, %broadcast_in_dim3A_332 : vector<16xi1>, vector<16xf32>
          %add3A_333 = arith.addf %scan3A_322, %select_n3A : vector<16xf32>
          %scan3A_334 = arith.constant 1 : i32
          %scan3A_335 = arith.addi %scan3A_321, %scan3A_334 : i32
          %mul3A_336 = arith.constant 16 : i32
          %mul3A_337 = arith.muli %scan3A_335, %mul3A_336 : i32
          %get3A_338 = arith.index_cast %mul3A_337 : i32 to index
          %get3A_339 = tpu.vector_load %arg7[%get3A_338] {strides = array<i32>} : memref<40000xi32, #tpu.memory_space<vmem>>, vector<16xi32>,
          %mul3A_340 = arith.constant 16 : i32
          %mul3A_341 = arith.muli %scan3A_335, %mul3A_340 : i32
          %get3A_342 = arith.index_cast %mul3A_341 : i32 to index
          %get3A_343 = tpu.vector_load %arg6[%get3A_342] {strides = array<i32>} : memref<40000xf32, #tpu.memory_space<vmem>>, vector<16xf32>,
          %lt3A_344 = vector.broadcast %squeeze3A_25 : i32 to vector<16xi32>
          %lt3A_345 = arith.cmpi slt, %get3A_339, %lt3A_344 : vector<16xi32>
          %jit3A_346 = arith.constant 0.000000e+00 : f32
          %broadcast_in_dim3A_347 = vector.broadcast %jit3A_346 : f32 to vector<16xf32>
          %select_n3A_348 = arith.select %lt3A_345, %get3A_343, %broadcast_in_dim3A_347 : vector<16xi1>, vector<16xf32>
          %add3A_349 = arith.addf %add3A_333, %select_n3A_348 : vector<16xf32>
          %scan3A_350 = arith.constant 2 : i32
          %scan3A_351 = arith.addi %scan3A_321, %scan3A_350 : i32
          %mul3A_352 = arith.constant 16 : i32
          %mul3A_353 = arith.muli %scan3A_351, %mul3A_352 : i32
          %get3A_354 = arith.index_cast %mul3A_353 : i32 to index
          %get3A_355 = tpu.vector_load %arg7[%get3A_354] {strides = array<i32>} : memref<40000xi32, #tpu.memory_space<vmem>>, vector<16xi32>,
          %mul3A_356 = arith.constant 16 : i32
          %mul3A_357 = arith.muli %scan3A_351, %mul3A_356 : i32
          %get3A_358 = arith.index_cast %mul3A_357 : i32 to index
          %get3A_359 = tpu.vector_load %arg6[%get3A_358] {strides = array<i32>} : memref<40000xf32, #tpu.memory_space<vmem>>, vector<16xf32>,
          %lt3A_360 = vector.broadcast %squeeze3A_25 : i32 to vector<16xi32>
          %lt3A_361 = arith.cmpi slt, %get3A_355, %lt3A_360 : vector<16xi32>
          %jit3A_362 = arith.constant 0.000000e+00 : f32
          %broadcast_in_dim3A_363 = vector.broadcast %jit3A_362 : f32 to vector<16xf32>
          %select_n3A_364 = arith.select %lt3A_361, %get3A_359, %broadcast_in_dim3A_363 : vector<16xi1>, vector<16xf32>
          %add3A_365 = arith.addf %add3A_349, %select_n3A_364 : vector<16xf32>
          %scan3A_366 = arith.constant 3 : i32
          %scan3A_367 = arith.addi %scan3A_321, %scan3A_366 : i32
          %mul3A_368 = arith.constant 16 : i32
          %mul3A_369 = arith.muli %scan3A_367, %mul3A_368 : i32
          %get3A_370 = arith.index_cast %mul3A_369 : i32 to index
          %get3A_371 = tpu.vector_load %arg7[%get3A_370] {strides = array<i32>} : memref<40000xi32, #tpu.memory_space<vmem>>, vector<16xi32>,
          %mul3A_372 = arith.constant 16 : i32
          %mul3A_373 = arith.muli %scan3A_367, %mul3A_372 : i32
          %get3A_374 = arith.index_cast %mul3A_373 : i32 to index
          %get3A_375 = tpu.vector_load %arg6[%get3A_374] {strides = array<i32>} : memref<40000xf32, #tpu.memory_space<vmem>>, vector<16xf32>,
          %lt3A_376 = vector.broadcast %squeeze3A_25 : i32 to vector<16xi32>
          %lt3A_377 = arith.cmpi slt, %get3A_371, %lt3A_376 : vector<16xi32>
          %jit3A_378 = arith.constant 0.000000e+00 : f32
          %broadcast_in_dim3A_379 = vector.broadcast %jit3A_378 : f32 to vector<16xf32>
          %select_n3A_380 = arith.select %lt3A_377, %get3A_375, %broadcast_in_dim3A_379 : vector<16xi1>, vector<16xf32>
          %add3A_381 = arith.addf %add3A_365, %select_n3A_380 : vector<16xf32>
          scf.yield %add3A_381 : vector<16xf32>
        }
        %scan3A_319 = arith.constant 2500 : i32
        %add3A_320 = arith.addf %scan3A_163, %scan3A_318 : vector<16xf32>
        scf.yield %add3A_320 : vector<16xf32>
      } else {
        %gt3A_314 = arith.cmpi sgt, %squeeze3A_25, %squeeze3A_178 : i32
        %select_n3A = arith.select %gt3A_314, %add3A_211, %broadcast_in_dim3A_32 : vector<16xf32>
        %add3A_315 = arith.addf %scan3A_163, %select_n3A : vector<16xf32>
        scf.yield %add3A_315 : vector<16xf32>
      }
      %gt3A_292 = arith.cmpi sgt, %squeeze3A_27, %squeeze3A_174 : i32
      %le3A_293 = arith.cmpi sle, %squeeze3A_27, %squeeze3A_178 : i32
      %and3A_294 = arith.andi %gt3A_292, %le3A_293 : i1
      %convert_element_type3A_295 = arith.extui %and3A_294 : i1 to i32
      %cond3A_296 = arith.constant 0 : i32
      %cond3A_297 = arith.cmpi ne, %convert_element_type3A_295, %cond3A_296 : i32
      %cond3A_298 = scf.if %cond3A_297 -> (vector<16xf32>) {
        %scan3A_314 = arith.constant 0 : i32
        %scan3A_315 = arith.constant 2500 : i32
        %scan3A_316 = arith.addi %scan3A_314, %scan3A_315 : i32
        %scan3A_317 = arith.constant 4 : i32
        %scan3A_318 = scf.for %scan3A_321 = %scan3A_314 to %scan3A_316 step %scan3A_317 iter_args(%scan3A_322 = %broadcast_in_dim3A_32) -> (vector<16xf32>)  : i32 {
          %mul3A_323 = arith.constant 16 : i32
          %mul3A_324 = arith.muli %scan3A_321, %mul3A_323 : i32
          %get3A_325 = arith.index_cast %mul3A_324 : i32 to index
          %get3A_326 = tpu.vector_load %arg7[%get3A_325] {strides = array<i32>} : memref<40000xi32, #tpu.memory_space<vmem>>, vector<16xi32>,
          %mul3A_327 = arith.constant 16 : i32
          %mul3A_328 = arith.muli %scan3A_321, %mul3A_327 : i32
          %get3A_329 = arith.index_cast %mul3A_328 : i32 to index
          %get3A_330 = tpu.vector_load %arg6[%get3A_329] {strides = array<i32>} : memref<40000xf32, #tpu.memory_space<vmem>>, vector<16xf32>,
          %lt3A = vector.broadcast %squeeze3A_27 : i32 to vector<16xi32>
          %lt3A_331 = arith.cmpi slt, %get3A_326, %lt3A : vector<16xi32>
          %jit3A = arith.constant 0.000000e+00 : f32
          %broadcast_in_dim3A_332 = vector.broadcast %jit3A : f32 to vector<16xf32>
          %select_n3A = arith.select %lt3A_331, %get3A_330, %broadcast_in_dim3A_332 : vector<16xi1>, vector<16xf32>
          %add3A_333 = arith.addf %scan3A_322, %select_n3A : vector<16xf32>
          %scan3A_334 = arith.constant 1 : i32
          %scan3A_335 = arith.addi %scan3A_321, %scan3A_334 : i32
          %mul3A_336 = arith.constant 16 : i32
          %mul3A_337 = arith.muli %scan3A_335, %mul3A_336 : i32
          %get3A_338 = arith.index_cast %mul3A_337 : i32 to index
          %get3A_339 = tpu.vector_load %arg7[%get3A_338] {strides = array<i32>} : memref<40000xi32, #tpu.memory_space<vmem>>, vector<16xi32>,
          %mul3A_340 = arith.constant 16 : i32
          %mul3A_341 = arith.muli %scan3A_335, %mul3A_340 : i32
          %get3A_342 = arith.index_cast %mul3A_341 : i32 to index
          %get3A_343 = tpu.vector_load %arg6[%get3A_342] {strides = array<i32>} : memref<40000xf32, #tpu.memory_space<vmem>>, vector<16xf32>,
          %lt3A_344 = vector.broadcast %squeeze3A_27 : i32 to vector<16xi32>
          %lt3A_345 = arith.cmpi slt, %get3A_339, %lt3A_344 : vector<16xi32>
          %jit3A_346 = arith.constant 0.000000e+00 : f32
          %broadcast_in_dim3A_347 = vector.broadcast %jit3A_346 : f32 to vector<16xf32>
          %select_n3A_348 = arith.select %lt3A_345, %get3A_343, %broadcast_in_dim3A_347 : vector<16xi1>, vector<16xf32>
          %add3A_349 = arith.addf %add3A_333, %select_n3A_348 : vector<16xf32>
          %scan3A_350 = arith.constant 2 : i32
          %scan3A_351 = arith.addi %scan3A_321, %scan3A_350 : i32
          %mul3A_352 = arith.constant 16 : i32
          %mul3A_353 = arith.muli %scan3A_351, %mul3A_352 : i32
          %get3A_354 = arith.index_cast %mul3A_353 : i32 to index
          %get3A_355 = tpu.vector_load %arg7[%get3A_354] {strides = array<i32>} : memref<40000xi32, #tpu.memory_space<vmem>>, vector<16xi32>,
          %mul3A_356 = arith.constant 16 : i32
          %mul3A_357 = arith.muli %scan3A_351, %mul3A_356 : i32
          %get3A_358 = arith.index_cast %mul3A_357 : i32 to index
          %get3A_359 = tpu.vector_load %arg6[%get3A_358] {strides = array<i32>} : memref<40000xf32, #tpu.memory_space<vmem>>, vector<16xf32>,
          %lt3A_360 = vector.broadcast %squeeze3A_27 : i32 to vector<16xi32>
          %lt3A_361 = arith.cmpi slt, %get3A_355, %lt3A_360 : vector<16xi32>
          %jit3A_362 = arith.constant 0.000000e+00 : f32
          %broadcast_in_dim3A_363 = vector.broadcast %jit3A_362 : f32 to vector<16xf32>
          %select_n3A_364 = arith.select %lt3A_361, %get3A_359, %broadcast_in_dim3A_363 : vector<16xi1>, vector<16xf32>
          %add3A_365 = arith.addf %add3A_349, %select_n3A_364 : vector<16xf32>
          %scan3A_366 = arith.constant 3 : i32
          %scan3A_367 = arith.addi %scan3A_321, %scan3A_366 : i32
          %mul3A_368 = arith.constant 16 : i32
          %mul3A_369 = arith.muli %scan3A_367, %mul3A_368 : i32
          %get3A_370 = arith.index_cast %mul3A_369 : i32 to index
          %get3A_371 = tpu.vector_load %arg7[%get3A_370] {strides = array<i32>} : memref<40000xi32, #tpu.memory_space<vmem>>, vector<16xi32>,
          %mul3A_372 = arith.constant 16 : i32
          %mul3A_373 = arith.muli %scan3A_367, %mul3A_372 : i32
          %get3A_374 = arith.index_cast %mul3A_373 : i32 to index
          %get3A_375 = tpu.vector_load %arg6[%get3A_374] {strides = array<i32>} : memref<40000xf32, #tpu.memory_space<vmem>>, vector<16xf32>,
          %lt3A_376 = vector.broadcast %squeeze3A_27 : i32 to vector<16xi32>
          %lt3A_377 = arith.cmpi slt, %get3A_371, %lt3A_376 : vector<16xi32>
          %jit3A_378 = arith.constant 0.000000e+00 : f32
          %broadcast_in_dim3A_379 = vector.broadcast %jit3A_378 : f32 to vector<16xf32>
          %select_n3A_380 = arith.select %lt3A_377, %get3A_375, %broadcast_in_dim3A_379 : vector<16xi1>, vector<16xf32>
          %add3A_381 = arith.addf %add3A_365, %select_n3A_380 : vector<16xf32>
          scf.yield %add3A_381 : vector<16xf32>
        }
        %scan3A_319 = arith.constant 2500 : i32
        %add3A_320 = arith.addf %scan3A_164, %scan3A_318 : vector<16xf32>
        scf.yield %add3A_320 : vector<16xf32>
      } else {
        %gt3A_314 = arith.cmpi sgt, %squeeze3A_27, %squeeze3A_178 : i32
        %select_n3A = arith.select %gt3A_314, %add3A_211, %broadcast_in_dim3A_32 : vector<16xf32>
        %add3A_315 = arith.addf %scan3A_164, %select_n3A : vector<16xf32>
        scf.yield %add3A_315 : vector<16xf32>
      }
      %gt3A_299 = arith.cmpi sgt, %squeeze3A_29, %squeeze3A_174 : i32
      %le3A_300 = arith.cmpi sle, %squeeze3A_29, %squeeze3A_178 : i32
      %and3A_301 = arith.andi %gt3A_299, %le3A_300 : i1
      %convert_element_type3A_302 = arith.extui %and3A_301 : i1 to i32
      %cond3A_303 = arith.constant 0 : i32
      %cond3A_304 = arith.cmpi ne, %convert_element_type3A_302, %cond3A_303 : i32
      %cond3A_305 = scf.if %cond3A_304 -> (vector<16xf32>) {
        %scan3A_314 = arith.constant 0 : i32
        %scan3A_315 = arith.constant 2500 : i32
        %scan3A_316 = arith.addi %scan3A_314, %scan3A_315 : i32
        %scan3A_317 = arith.constant 4 : i32
        %scan3A_318 = scf.for %scan3A_321 = %scan3A_314 to %scan3A_316 step %scan3A_317 iter_args(%scan3A_322 = %broadcast_in_dim3A_32) -> (vector<16xf32>)  : i32 {
          %mul3A_323 = arith.constant 16 : i32
          %mul3A_324 = arith.muli %scan3A_321, %mul3A_323 : i32
          %get3A_325 = arith.index_cast %mul3A_324 : i32 to index
          %get3A_326 = tpu.vector_load %arg7[%get3A_325] {strides = array<i32>} : memref<40000xi32, #tpu.memory_space<vmem>>, vector<16xi32>,
          %mul3A_327 = arith.constant 16 : i32
          %mul3A_328 = arith.muli %scan3A_321, %mul3A_327 : i32
          %get3A_329 = arith.index_cast %mul3A_328 : i32 to index
          %get3A_330 = tpu.vector_load %arg6[%get3A_329] {strides = array<i32>} : memref<40000xf32, #tpu.memory_space<vmem>>, vector<16xf32>,
          %lt3A = vector.broadcast %squeeze3A_29 : i32 to vector<16xi32>
          %lt3A_331 = arith.cmpi slt, %get3A_326, %lt3A : vector<16xi32>
          %jit3A = arith.constant 0.000000e+00 : f32
          %broadcast_in_dim3A_332 = vector.broadcast %jit3A : f32 to vector<16xf32>
          %select_n3A = arith.select %lt3A_331, %get3A_330, %broadcast_in_dim3A_332 : vector<16xi1>, vector<16xf32>
          %add3A_333 = arith.addf %scan3A_322, %select_n3A : vector<16xf32>
          %scan3A_334 = arith.constant 1 : i32
          %scan3A_335 = arith.addi %scan3A_321, %scan3A_334 : i32
          %mul3A_336 = arith.constant 16 : i32
          %mul3A_337 = arith.muli %scan3A_335, %mul3A_336 : i32
          %get3A_338 = arith.index_cast %mul3A_337 : i32 to index
          %get3A_339 = tpu.vector_load %arg7[%get3A_338] {strides = array<i32>} : memref<40000xi32, #tpu.memory_space<vmem>>, vector<16xi32>,
          %mul3A_340 = arith.constant 16 : i32
          %mul3A_341 = arith.muli %scan3A_335, %mul3A_340 : i32
          %get3A_342 = arith.index_cast %mul3A_341 : i32 to index
          %get3A_343 = tpu.vector_load %arg6[%get3A_342] {strides = array<i32>} : memref<40000xf32, #tpu.memory_space<vmem>>, vector<16xf32>,
          %lt3A_344 = vector.broadcast %squeeze3A_29 : i32 to vector<16xi32>
          %lt3A_345 = arith.cmpi slt, %get3A_339, %lt3A_344 : vector<16xi32>
          %jit3A_346 = arith.constant 0.000000e+00 : f32
          %broadcast_in_dim3A_347 = vector.broadcast %jit3A_346 : f32 to vector<16xf32>
          %select_n3A_348 = arith.select %lt3A_345, %get3A_343, %broadcast_in_dim3A_347 : vector<16xi1>, vector<16xf32>
          %add3A_349 = arith.addf %add3A_333, %select_n3A_348 : vector<16xf32>
          %scan3A_350 = arith.constant 2 : i32
          %scan3A_351 = arith.addi %scan3A_321, %scan3A_350 : i32
          %mul3A_352 = arith.constant 16 : i32
          %mul3A_353 = arith.muli %scan3A_351, %mul3A_352 : i32
          %get3A_354 = arith.index_cast %mul3A_353 : i32 to index
          %get3A_355 = tpu.vector_load %arg7[%get3A_354] {strides = array<i32>} : memref<40000xi32, #tpu.memory_space<vmem>>, vector<16xi32>,
          %mul3A_356 = arith.constant 16 : i32
          %mul3A_357 = arith.muli %scan3A_351, %mul3A_356 : i32
          %get3A_358 = arith.index_cast %mul3A_357 : i32 to index
          %get3A_359 = tpu.vector_load %arg6[%get3A_358] {strides = array<i32>} : memref<40000xf32, #tpu.memory_space<vmem>>, vector<16xf32>,
          %lt3A_360 = vector.broadcast %squeeze3A_29 : i32 to vector<16xi32>
          %lt3A_361 = arith.cmpi slt, %get3A_355, %lt3A_360 : vector<16xi32>
          %jit3A_362 = arith.constant 0.000000e+00 : f32
          %broadcast_in_dim3A_363 = vector.broadcast %jit3A_362 : f32 to vector<16xf32>
          %select_n3A_364 = arith.select %lt3A_361, %get3A_359, %broadcast_in_dim3A_363 : vector<16xi1>, vector<16xf32>
          %add3A_365 = arith.addf %add3A_349, %select_n3A_364 : vector<16xf32>
          %scan3A_366 = arith.constant 3 : i32
          %scan3A_367 = arith.addi %scan3A_321, %scan3A_366 : i32
          %mul3A_368 = arith.constant 16 : i32
          %mul3A_369 = arith.muli %scan3A_367, %mul3A_368 : i32
          %get3A_370 = arith.index_cast %mul3A_369 : i32 to index
          %get3A_371 = tpu.vector_load %arg7[%get3A_370] {strides = array<i32>} : memref<40000xi32, #tpu.memory_space<vmem>>, vector<16xi32>,
          %mul3A_372 = arith.constant 16 : i32
          %mul3A_373 = arith.muli %scan3A_367, %mul3A_372 : i32
          %get3A_374 = arith.index_cast %mul3A_373 : i32 to index
          %get3A_375 = tpu.vector_load %arg6[%get3A_374] {strides = array<i32>} : memref<40000xf32, #tpu.memory_space<vmem>>, vector<16xf32>,
          %lt3A_376 = vector.broadcast %squeeze3A_29 : i32 to vector<16xi32>
          %lt3A_377 = arith.cmpi slt, %get3A_371, %lt3A_376 : vector<16xi32>
          %jit3A_378 = arith.constant 0.000000e+00 : f32
          %broadcast_in_dim3A_379 = vector.broadcast %jit3A_378 : f32 to vector<16xf32>
          %select_n3A_380 = arith.select %lt3A_377, %get3A_375, %broadcast_in_dim3A_379 : vector<16xi1>, vector<16xf32>
          %add3A_381 = arith.addf %add3A_365, %select_n3A_380 : vector<16xf32>
          scf.yield %add3A_381 : vector<16xf32>
        }
        %scan3A_319 = arith.constant 2500 : i32
        %add3A_320 = arith.addf %scan3A_165, %scan3A_318 : vector<16xf32>
        scf.yield %add3A_320 : vector<16xf32>
      } else {
        %gt3A_314 = arith.cmpi sgt, %squeeze3A_29, %squeeze3A_178 : i32
        %select_n3A = arith.select %gt3A_314, %add3A_211, %broadcast_in_dim3A_32 : vector<16xf32>
        %add3A_315 = arith.addf %scan3A_165, %select_n3A : vector<16xf32>
        scf.yield %add3A_315 : vector<16xf32>
      }
      %gt3A_306 = arith.cmpi sgt, %squeeze3A_31, %squeeze3A_174 : i32
      %le3A_307 = arith.cmpi sle, %squeeze3A_31, %squeeze3A_178 : i32
      %and3A_308 = arith.andi %gt3A_306, %le3A_307 : i1
      %convert_element_type3A_309 = arith.extui %and3A_308 : i1 to i32
      %cond3A_310 = arith.constant 0 : i32
      %cond3A_311 = arith.cmpi ne, %convert_element_type3A_309, %cond3A_310 : i32
      %cond3A_312 = scf.if %cond3A_311 -> (vector<16xf32>) {
        %scan3A_314 = arith.constant 0 : i32
        %scan3A_315 = arith.constant 2500 : i32
        %scan3A_316 = arith.addi %scan3A_314, %scan3A_315 : i32
        %scan3A_317 = arith.constant 4 : i32
        %scan3A_318 = scf.for %scan3A_321 = %scan3A_314 to %scan3A_316 step %scan3A_317 iter_args(%scan3A_322 = %broadcast_in_dim3A_32) -> (vector<16xf32>)  : i32 {
          %mul3A_323 = arith.constant 16 : i32
          %mul3A_324 = arith.muli %scan3A_321, %mul3A_323 : i32
          %get3A_325 = arith.index_cast %mul3A_324 : i32 to index
          %get3A_326 = tpu.vector_load %arg7[%get3A_325] {strides = array<i32>} : memref<40000xi32, #tpu.memory_space<vmem>>, vector<16xi32>,
          %mul3A_327 = arith.constant 16 : i32
          %mul3A_328 = arith.muli %scan3A_321, %mul3A_327 : i32
          %get3A_329 = arith.index_cast %mul3A_328 : i32 to index
          %get3A_330 = tpu.vector_load %arg6[%get3A_329] {strides = array<i32>} : memref<40000xf32, #tpu.memory_space<vmem>>, vector<16xf32>,
          %lt3A = vector.broadcast %squeeze3A_31 : i32 to vector<16xi32>
          %lt3A_331 = arith.cmpi slt, %get3A_326, %lt3A : vector<16xi32>
          %jit3A = arith.constant 0.000000e+00 : f32
          %broadcast_in_dim3A_332 = vector.broadcast %jit3A : f32 to vector<16xf32>
          %select_n3A = arith.select %lt3A_331, %get3A_330, %broadcast_in_dim3A_332 : vector<16xi1>, vector<16xf32>
          %add3A_333 = arith.addf %scan3A_322, %select_n3A : vector<16xf32>
          %scan3A_334 = arith.constant 1 : i32
          %scan3A_335 = arith.addi %scan3A_321, %scan3A_334 : i32
          %mul3A_336 = arith.constant 16 : i32
          %mul3A_337 = arith.muli %scan3A_335, %mul3A_336 : i32
          %get3A_338 = arith.index_cast %mul3A_337 : i32 to index
          %get3A_339 = tpu.vector_load %arg7[%get3A_338] {strides = array<i32>} : memref<40000xi32, #tpu.memory_space<vmem>>, vector<16xi32>,
          %mul3A_340 = arith.constant 16 : i32
          %mul3A_341 = arith.muli %scan3A_335, %mul3A_340 : i32
          %get3A_342 = arith.index_cast %mul3A_341 : i32 to index
          %get3A_343 = tpu.vector_load %arg6[%get3A_342] {strides = array<i32>} : memref<40000xf32, #tpu.memory_space<vmem>>, vector<16xf32>,
          %lt3A_344 = vector.broadcast %squeeze3A_31 : i32 to vector<16xi32>
          %lt3A_345 = arith.cmpi slt, %get3A_339, %lt3A_344 : vector<16xi32>
          %jit3A_346 = arith.constant 0.000000e+00 : f32
          %broadcast_in_dim3A_347 = vector.broadcast %jit3A_346 : f32 to vector<16xf32>
          %select_n3A_348 = arith.select %lt3A_345, %get3A_343, %broadcast_in_dim3A_347 : vector<16xi1>, vector<16xf32>
          %add3A_349 = arith.addf %add3A_333, %select_n3A_348 : vector<16xf32>
          %scan3A_350 = arith.constant 2 : i32
          %scan3A_351 = arith.addi %scan3A_321, %scan3A_350 : i32
          %mul3A_352 = arith.constant 16 : i32
          %mul3A_353 = arith.muli %scan3A_351, %mul3A_352 : i32
          %get3A_354 = arith.index_cast %mul3A_353 : i32 to index
          %get3A_355 = tpu.vector_load %arg7[%get3A_354] {strides = array<i32>} : memref<40000xi32, #tpu.memory_space<vmem>>, vector<16xi32>,
          %mul3A_356 = arith.constant 16 : i32
          %mul3A_357 = arith.muli %scan3A_351, %mul3A_356 : i32
          %get3A_358 = arith.index_cast %mul3A_357 : i32 to index
          %get3A_359 = tpu.vector_load %arg6[%get3A_358] {strides = array<i32>} : memref<40000xf32, #tpu.memory_space<vmem>>, vector<16xf32>,
          %lt3A_360 = vector.broadcast %squeeze3A_31 : i32 to vector<16xi32>
          %lt3A_361 = arith.cmpi slt, %get3A_355, %lt3A_360 : vector<16xi32>
          %jit3A_362 = arith.constant 0.000000e+00 : f32
          %broadcast_in_dim3A_363 = vector.broadcast %jit3A_362 : f32 to vector<16xf32>
          %select_n3A_364 = arith.select %lt3A_361, %get3A_359, %broadcast_in_dim3A_363 : vector<16xi1>, vector<16xf32>
          %add3A_365 = arith.addf %add3A_349, %select_n3A_364 : vector<16xf32>
          %scan3A_366 = arith.constant 3 : i32
          %scan3A_367 = arith.addi %scan3A_321, %scan3A_366 : i32
          %mul3A_368 = arith.constant 16 : i32
          %mul3A_369 = arith.muli %scan3A_367, %mul3A_368 : i32
          %get3A_370 = arith.index_cast %mul3A_369 : i32 to index
          %get3A_371 = tpu.vector_load %arg7[%get3A_370] {strides = array<i32>} : memref<40000xi32, #tpu.memory_space<vmem>>, vector<16xi32>,
          %mul3A_372 = arith.constant 16 : i32
          %mul3A_373 = arith.muli %scan3A_367, %mul3A_372 : i32
          %get3A_374 = arith.index_cast %mul3A_373 : i32 to index
          %get3A_375 = tpu.vector_load %arg6[%get3A_374] {strides = array<i32>} : memref<40000xf32, #tpu.memory_space<vmem>>, vector<16xf32>,
          %lt3A_376 = vector.broadcast %squeeze3A_31 : i32 to vector<16xi32>
          %lt3A_377 = arith.cmpi slt, %get3A_371, %lt3A_376 : vector<16xi32>
          %jit3A_378 = arith.constant 0.000000e+00 : f32
          %broadcast_in_dim3A_379 = vector.broadcast %jit3A_378 : f32 to vector<16xf32>
          %select_n3A_380 = arith.select %lt3A_377, %get3A_375, %broadcast_in_dim3A_379 : vector<16xi1>, vector<16xf32>
          %add3A_381 = arith.addf %add3A_365, %select_n3A_380 : vector<16xf32>
          scf.yield %add3A_381 : vector<16xf32>
        }
        %scan3A_319 = arith.constant 2500 : i32
        %add3A_320 = arith.addf %scan3A_166, %scan3A_318 : vector<16xf32>
        scf.yield %add3A_320 : vector<16xf32>
      } else {
        %gt3A_314 = arith.cmpi sgt, %squeeze3A_31, %squeeze3A_178 : i32
        %select_n3A = arith.select %gt3A_314, %add3A_211, %broadcast_in_dim3A_32 : vector<16xf32>
        %add3A_315 = arith.addf %scan3A_166, %select_n3A : vector<16xf32>
        scf.yield %add3A_315 : vector<16xf32>
      }
      %add3A_313 = arith.addf %scan3A_167, %add3A_211 : vector<16xf32>
      scf.yield %cond3A_214, %cond3A_221, %cond3A_228, %cond3A_235, %cond3A_242, %cond3A_249, %cond3A_256, %cond3A_263, %cond3A_270, %cond3A_277, %cond3A_284, %cond3A_291, %cond3A_298, %cond3A_305, %cond3A_312, %add3A_313 : vector<16xf32>, vector<16xf32>, vector<16xf32>, vector<16xf32>, vector<16xf32>, vector<16xf32>, vector<16xf32>, vector<16xf32>, vector<16xf32>, vector<16xf32>, vector<16xf32>, vector<16xf32>, vector<16xf32>, vector<16xf32>, vector<16xf32>, vector<16xf32>
    }
    %scan3A_37 = arith.constant 5 : i32
    %swap3A = arith.constant 0 : index
    %swap3A_38 = tpu.vector_load %arg9[%swap3A] {strides = array<i32>} : memref<256xf32, #tpu.memory_space<vmem>>, vector<16xf32>,
    tpu.vector_store %arg9[%swap3A], %scan3A_36#0 {strides = array<i32>} : memref<256xf32, #tpu.memory_space<vmem>>, vector<16xf32>,
    %swap3A_39 = arith.constant 16 : index
    %swap3A_40 = tpu.vector_load %arg9[%swap3A_39] {strides = array<i32>} : memref<256xf32, #tpu.memory_space<vmem>>, vector<16xf32>,
    tpu.vector_store %arg9[%swap3A_39], %scan3A_36#1 {strides = array<i32>} : memref<256xf32, #tpu.memory_space<vmem>>, vector<16xf32>,
    %swap3A_41 = arith.constant 32 : index
    %swap3A_42 = tpu.vector_load %arg9[%swap3A_41] {strides = array<i32>} : memref<256xf32, #tpu.memory_space<vmem>>, vector<16xf32>,
    tpu.vector_store %arg9[%swap3A_41], %scan3A_36#2 {strides = array<i32>} : memref<256xf32, #tpu.memory_space<vmem>>, vector<16xf32>,
    %swap3A_43 = arith.constant 48 : index
    %swap3A_44 = tpu.vector_load %arg9[%swap3A_43] {strides = array<i32>} : memref<256xf32, #tpu.memory_space<vmem>>, vector<16xf32>,
    tpu.vector_store %arg9[%swap3A_43], %scan3A_36#3 {strides = array<i32>} : memref<256xf32, #tpu.memory_space<vmem>>, vector<16xf32>,
    %swap3A_45 = arith.constant 64 : index
    %swap3A_46 = tpu.vector_load %arg9[%swap3A_45] {strides = array<i32>} : memref<256xf32, #tpu.memory_space<vmem>>, vector<16xf32>,
    tpu.vector_store %arg9[%swap3A_45], %scan3A_36#4 {strides = array<i32>} : memref<256xf32, #tpu.memory_space<vmem>>, vector<16xf32>,
    %swap3A_47 = arith.constant 80 : index
    %swap3A_48 = tpu.vector_load %arg9[%swap3A_47] {strides = array<i32>} : memref<256xf32, #tpu.memory_space<vmem>>, vector<16xf32>,
    tpu.vector_store %arg9[%swap3A_47], %scan3A_36#5 {strides = array<i32>} : memref<256xf32, #tpu.memory_space<vmem>>, vector<16xf32>,
    %swap3A_49 = arith.constant 96 : index
    %swap3A_50 = tpu.vector_load %arg9[%swap3A_49] {strides = array<i32>} : memref<256xf32, #tpu.memory_space<vmem>>, vector<16xf32>,
    tpu.vector_store %arg9[%swap3A_49], %scan3A_36#6 {strides = array<i32>} : memref<256xf32, #tpu.memory_space<vmem>>, vector<16xf32>,
    %swap3A_51 = arith.constant 112 : index
    %swap3A_52 = tpu.vector_load %arg9[%swap3A_51] {strides = array<i32>} : memref<256xf32, #tpu.memory_space<vmem>>, vector<16xf32>,
    tpu.vector_store %arg9[%swap3A_51], %scan3A_36#7 {strides = array<i32>} : memref<256xf32, #tpu.memory_space<vmem>>, vector<16xf32>,
    %swap3A_53 = arith.constant 128 : index
    %swap3A_54 = tpu.vector_load %arg9[%swap3A_53] {strides = array<i32>} : memref<256xf32, #tpu.memory_space<vmem>>, vector<16xf32>,
    tpu.vector_store %arg9[%swap3A_53], %scan3A_36#8 {strides = array<i32>} : memref<256xf32, #tpu.memory_space<vmem>>, vector<16xf32>,
    %swap3A_55 = arith.constant 144 : index
    %swap3A_56 = tpu.vector_load %arg9[%swap3A_55] {strides = array<i32>} : memref<256xf32, #tpu.memory_space<vmem>>, vector<16xf32>,
    tpu.vector_store %arg9[%swap3A_55], %scan3A_36#9 {strides = array<i32>} : memref<256xf32, #tpu.memory_space<vmem>>, vector<16xf32>,
    %swap3A_57 = arith.constant 160 : index
    %swap3A_58 = tpu.vector_load %arg9[%swap3A_57] {strides = array<i32>} : memref<256xf32, #tpu.memory_space<vmem>>, vector<16xf32>,
    tpu.vector_store %arg9[%swap3A_57], %scan3A_36#10 {strides = array<i32>} : memref<256xf32, #tpu.memory_space<vmem>>, vector<16xf32>,
    %swap3A_59 = arith.constant 176 : index
    %swap3A_60 = tpu.vector_load %arg9[%swap3A_59] {strides = array<i32>} : memref<256xf32, #tpu.memory_space<vmem>>, vector<16xf32>,
    tpu.vector_store %arg9[%swap3A_59], %scan3A_36#11 {strides = array<i32>} : memref<256xf32, #tpu.memory_space<vmem>>, vector<16xf32>,
    %swap3A_61 = arith.constant 192 : index
    %swap3A_62 = tpu.vector_load %arg9[%swap3A_61] {strides = array<i32>} : memref<256xf32, #tpu.memory_space<vmem>>, vector<16xf32>,
    tpu.vector_store %arg9[%swap3A_61], %scan3A_36#12 {strides = array<i32>} : memref<256xf32, #tpu.memory_space<vmem>>, vector<16xf32>,
    %swap3A_63 = arith.constant 208 : index
    %swap3A_64 = tpu.vector_load %arg9[%swap3A_63] {strides = array<i32>} : memref<256xf32, #tpu.memory_space<vmem>>, vector<16xf32>,
    tpu.vector_store %arg9[%swap3A_63], %scan3A_36#13 {strides = array<i32>} : memref<256xf32, #tpu.memory_space<vmem>>, vector<16xf32>,
    %swap3A_65 = arith.constant 224 : index
    %swap3A_66 = tpu.vector_load %arg9[%swap3A_65] {strides = array<i32>} : memref<256xf32, #tpu.memory_space<vmem>>, vector<16xf32>,
    tpu.vector_store %arg9[%swap3A_65], %scan3A_36#14 {strides = array<i32>} : memref<256xf32, #tpu.memory_space<vmem>>, vector<16xf32>,
    %swap3A_67 = arith.constant 240 : index
    %swap3A_68 = tpu.vector_load %arg9[%swap3A_67] {strides = array<i32>} : memref<256xf32, #tpu.memory_space<vmem>>, vector<16xf32>,
    tpu.vector_store %arg9[%swap3A_67], %scan3A_36#15 {strides = array<i32>} : memref<256xf32, #tpu.memory_space<vmem>>, vector<16xf32>,
    %mul3A_69 = arith.constant 16 : i32
    %mul3A_70 = vector.broadcast %mul3A_69 : i32 to vector<16xi32>
    %mul3A_71 = arith.muli %iota3A, %mul3A_70 : vector<16xi32>
    %gather3A = tpu.vector_load_idx %arg9[%mul3A_71] : memref<256xf32, #tpu.memory_space<vmem>>[vector<16xi32>], vector<16xf32>,
    %add3A_72 = arith.constant 1 : i32
    %add3A_73 = vector.broadcast %add3A_72 : i32 to vector<16xi32>
    %add3A_74 = arith.addi %mul3A_71, %add3A_73 : vector<16xi32>
    %gather3A_75 = tpu.vector_load_idx %arg9[%add3A_74] : memref<256xf32, #tpu.memory_space<vmem>>[vector<16xi32>], vector<16xf32>,
    %add3A_76 = arith.addf %gather3A, %gather3A_75 : vector<16xf32>
    %add3A_77 = arith.constant 2 : i32
    %add3A_78 = vector.broadcast %add3A_77 : i32 to vector<16xi32>
    %add3A_79 = arith.addi %mul3A_71, %add3A_78 : vector<16xi32>
    %gather3A_80 = tpu.vector_load_idx %arg9[%add3A_79] : memref<256xf32, #tpu.memory_space<vmem>>[vector<16xi32>], vector<16xf32>,
    %add3A_81 = arith.addf %add3A_76, %gather3A_80 : vector<16xf32>
    %add3A_82 = arith.constant 3 : i32
    %add3A_83 = vector.broadcast %add3A_82 : i32 to vector<16xi32>
    %add3A_84 = arith.addi %mul3A_71, %add3A_83 : vector<16xi32>
    %gather3A_85 = tpu.vector_load_idx %arg9[%add3A_84] : memref<256xf32, #tpu.memory_space<vmem>>[vector<16xi32>], vector<16xf32>,
    %add3A_86 = arith.addf %add3A_81, %gather3A_85 : vector<16xf32>
    %add3A_87 = arith.constant 4 : i32
    %add3A_88 = vector.broadcast %add3A_87 : i32 to vector<16xi32>
    %add3A_89 = arith.addi %mul3A_71, %add3A_88 : vector<16xi32>
    %gather3A_90 = tpu.vector_load_idx %arg9[%add3A_89] : memref<256xf32, #tpu.memory_space<vmem>>[vector<16xi32>], vector<16xf32>,
    %add3A_91 = arith.addf %add3A_86, %gather3A_90 : vector<16xf32>
    %add3A_92 = arith.constant 5 : i32
    %add3A_93 = vector.broadcast %add3A_92 : i32 to vector<16xi32>
    %add3A_94 = arith.addi %mul3A_71, %add3A_93 : vector<16xi32>
    %gather3A_95 = tpu.vector_load_idx %arg9[%add3A_94] : memref<256xf32, #tpu.memory_space<vmem>>[vector<16xi32>], vector<16xf32>,
    %add3A_96 = arith.addf %add3A_91, %gather3A_95 : vector<16xf32>
    %add3A_97 = arith.constant 6 : i32
    %add3A_98 = vector.broadcast %add3A_97 : i32 to vector<16xi32>
    %add3A_99 = arith.addi %mul3A_71, %add3A_98 : vector<16xi32>
    %gather3A_100 = tpu.vector_load_idx %arg9[%add3A_99] : memref<256xf32, #tpu.memory_space<vmem>>[vector<16xi32>], vector<16xf32>,
    %add3A_101 = arith.addf %add3A_96, %gather3A_100 : vector<16xf32>
    %add3A_102 = arith.constant 7 : i32
    %add3A_103 = vector.broadcast %add3A_102 : i32 to vector<16xi32>
    %add3A_104 = arith.addi %mul3A_71, %add3A_103 : vector<16xi32>
    %gather3A_105 = tpu.vector_load_idx %arg9[%add3A_104] : memref<256xf32, #tpu.memory_space<vmem>>[vector<16xi32>], vector<16xf32>,
    %add3A_106 = arith.addf %add3A_101, %gather3A_105 : vector<16xf32>
    %add3A_107 = arith.constant 8 : i32
    %add3A_108 = vector.broadcast %add3A_107 : i32 to vector<16xi32>
    %add3A_109 = arith.addi %mul3A_71, %add3A_108 : vector<16xi32>
    %gather3A_110 = tpu.vector_load_idx %arg9[%add3A_109] : memref<256xf32, #tpu.memory_space<vmem>>[vector<16xi32>], vector<16xf32>,
    %add3A_111 = arith.addf %add3A_106, %gather3A_110 : vector<16xf32>
    %add3A_112 = arith.constant 9 : i32
    %add3A_113 = vector.broadcast %add3A_112 : i32 to vector<16xi32>
    %add3A_114 = arith.addi %mul3A_71, %add3A_113 : vector<16xi32>
    %gather3A_115 = tpu.vector_load_idx %arg9[%add3A_114] : memref<256xf32, #tpu.memory_space<vmem>>[vector<16xi32>], vector<16xf32>,
    %add3A_116 = arith.addf %add3A_111, %gather3A_115 : vector<16xf32>
    %add3A_117 = arith.constant 10 : i32
    %add3A_118 = vector.broadcast %add3A_117 : i32 to vector<16xi32>
    %add3A_119 = arith.addi %mul3A_71, %add3A_118 : vector<16xi32>
    %gather3A_120 = tpu.vector_load_idx %arg9[%add3A_119] : memref<256xf32, #tpu.memory_space<vmem>>[vector<16xi32>], vector<16xf32>,
    %add3A_121 = arith.addf %add3A_116, %gather3A_120 : vector<16xf32>
    %add3A_122 = arith.constant 11 : i32
    %add3A_123 = vector.broadcast %add3A_122 : i32 to vector<16xi32>
    %add3A_124 = arith.addi %mul3A_71, %add3A_123 : vector<16xi32>
    %gather3A_125 = tpu.vector_load_idx %arg9[%add3A_124] : memref<256xf32, #tpu.memory_space<vmem>>[vector<16xi32>], vector<16xf32>,
    %add3A_126 = arith.addf %add3A_121, %gather3A_125 : vector<16xf32>
    %add3A_127 = arith.constant 12 : i32
    %add3A_128 = vector.broadcast %add3A_127 : i32 to vector<16xi32>
    %add3A_129 = arith.addi %mul3A_71, %add3A_128 : vector<16xi32>
    %gather3A_130 = tpu.vector_load_idx %arg9[%add3A_129] : memref<256xf32, #tpu.memory_space<vmem>>[vector<16xi32>], vector<16xf32>,
    %add3A_131 = arith.addf %add3A_126, %gather3A_130 : vector<16xf32>
    %add3A_132 = arith.constant 13 : i32
    %add3A_133 = vector.broadcast %add3A_132 : i32 to vector<16xi32>
    %add3A_134 = arith.addi %mul3A_71, %add3A_133 : vector<16xi32>
    %gather3A_135 = tpu.vector_load_idx %arg9[%add3A_134] : memref<256xf32, #tpu.memory_space<vmem>>[vector<16xi32>], vector<16xf32>,
    %add3A_136 = arith.addf %add3A_131, %gather3A_135 : vector<16xf32>
    %add3A_137 = arith.constant 14 : i32
    %add3A_138 = vector.broadcast %add3A_137 : i32 to vector<16xi32>
    %add3A_139 = arith.addi %mul3A_71, %add3A_138 : vector<16xi32>
    %gather3A_140 = tpu.vector_load_idx %arg9[%add3A_139] : memref<256xf32, #tpu.memory_space<vmem>>[vector<16xi32>], vector<16xf32>,
    %add3A_141 = arith.addf %add3A_136, %gather3A_140 : vector<16xf32>
    %add3A_142 = arith.constant 15 : i32
    %add3A_143 = vector.broadcast %add3A_142 : i32 to vector<16xi32>
    %add3A_144 = arith.addi %mul3A_71, %add3A_143 : vector<16xi32>
    %gather3A_145 = tpu.vector_load_idx %arg9[%add3A_144] : memref<256xf32, #tpu.memory_space<vmem>>[vector<16xi32>], vector<16xf32>,
    %add3A_146 = arith.addf %add3A_141, %gather3A_145 : vector<16xf32>
    %swap3A_147 = arith.constant 0 : index
    %swap3A_148 = tpu.vector_load %arg9[%swap3A_147] {strides = array<i32>} : memref<256xf32, #tpu.memory_space<vmem>>, vector<16xf32>,
    tpu.vector_store %arg9[%swap3A_147], %add3A_146 {strides = array<i32>} : memref<256xf32, #tpu.memory_space<vmem>>, vector<16xf32>,
    %mul3A_149 = arith.constant 16 : i32
    %mul3A_150 = arith.muli %add3A, %mul3A_149 : i32
    "tpu.region"() ({
      %run_scoped3A = tpu.sem_alloc : memref<!tpu.dma_semaphore, #tpu.memory_space<semaphore_mem>>
      %dma_start3A = arith.constant 0 : i32
      %dma_start3A_151 = tpu.memref_slice %arg9[%dma_start3A] : memref<256xf32, #tpu.memory_space<vmem>> -> memref<16xf32, #tpu.memory_space<vmem>>
      %dma_start3A_152 = tpu.memref_slice %arg5[%mul3A_150] : memref<512xf32, #tpu.memory_space<hbm>> -> memref<16xf32, #tpu.memory_space<hbm>>
      %dma_start3A_153 = tpu.memref_slice %arg5[%mul3A_150] : memref<512xf32, #tpu.memory_space<hbm>> -> memref<16xf32, #tpu.memory_space<hbm>>
      %dma_start3A_154 = arith.constant 0 : i32
      %dma_start3A_155 = tpu.memref_slice %arg9[%dma_start3A_154] : memref<256xf32, #tpu.memory_space<vmem>> -> memref<16xf32, #tpu.memory_space<vmem>>
      tpu.enqueue_dma source(%dma_start3A_155 : memref<16xf32, #tpu.memory_space<vmem>>) target(%dma_start3A_153 : memref<16xf32, #tpu.memory_space<hbm>>) target_semaphore(%run_scoped3A : memref<!tpu.dma_semaphore, #tpu.memory_space<semaphore_mem>>)
      %dma_wait3A = arith.constant 0 : i32
      %dma_wait3A_156 = tpu.memref_slice %arg9[%dma_wait3A] : memref<256xf32, #tpu.memory_space<vmem>> -> memref<16xf32, #tpu.memory_space<vmem>>
      %dma_wait3A_157 = tpu.memref_slice %arg5[%mul3A_150] : memref<512xf32, #tpu.memory_space<hbm>> -> memref<16xf32, #tpu.memory_space<hbm>>
      %dma_wait3A_158 = tpu.memref_slice %arg5[%mul3A_150] : memref<512xf32, #tpu.memory_space<hbm>> -> memref<16xf32, #tpu.memory_space<hbm>>
      %dma_wait3A_159 = arith.constant 0 : i32
      %dma_wait3A_160 = tpu.memref_slice %arg9[%dma_wait3A_159] : memref<256xf32, #tpu.memory_space<vmem>> -> memref<16xf32, #tpu.memory_space<vmem>>
      tpu.wait_dma2 semaphore(%run_scoped3A : memref<!tpu.dma_semaphore, #tpu.memory_space<semaphore_mem>>) src(%dma_wait3A_160 : memref<16xf32, #tpu.memory_space<vmem>>) dst(%dma_wait3A_158 : memref<16xf32, #tpu.memory_space<hbm>>)
      tpu.yield
    }) : () -> ()
    return
  }
}

module attributes {stable_mosaic.version = 14 : i64} {
  func.func @_energy_body(%arg0: i32, %arg1: memref<25600x3xf32, #tpu.memory_space<vmem>>, %arg2: memref<200x128xf32, #tpu.memory_space<vmem>>) attributes {dimension_semantics = [#tpu.dimension_semantics<arbitrary>], iteration_bounds = array<i64: 250>, scalar_prefetch = 0 : i64, scratch_operands = 0 : i64, tpu.core_type = #tpu.core_type<tc>, window_params = [{transform_indices = @transform_0, window_bounds = array<i64: 25600, 3>}, {transform_indices = @transform_1, window_bounds = array<i64: 200, 128>}]} {
    %get3A = arith.constant 0 : index
    %get3A_0 = arith.constant 0 : index
    %get3A_1 = vector.load %arg1[%get3A, %get3A_0] : memref<25600x3xf32, #tpu.memory_space<vmem>>, vector<25600x3xf32>
    %mul3A = arith.mulf %get3A_1, %get3A_1 : vector<25600x3xf32>
    %broadcast_in_dim3A = arith.constant 1.000000e+00 : f32
    %broadcast_in_dim3A_2 = vector.broadcast %broadcast_in_dim3A : f32 to vector<1x3xf32>
    %dot_general3A = arith.constant dense<0.000000e+00> : vector<1x25600xf32>
    %dot_general3A_3 = tpu.matmul %broadcast_in_dim3A_2, %mul3A, %dot_general3A {dimension_numbers = #tpu.dot_dimension_numbers<[1], [1], [0], [0], [0, 0, 1, 0], [], []>, transpose_lhs_hint = false} : vector<1x3xf32>, vector<25600x3xf32>, vector<1x25600xf32> -> vector<1x25600xf32>
    %div3A = arith.constant 1.000000e+00 : f32
    %div3A_4 = vector.broadcast %div3A : f32 to vector<1x25600xf32>
    %div3A_5 = arith.divf %div3A_4, %dot_general3A_3 : vector<1x25600xf32>
    %mul3A_6 = arith.mulf %div3A_5, %div3A_5 : vector<1x25600xf32>
    %mul3A_7 = arith.mulf %mul3A_6, %div3A_5 : vector<1x25600xf32>
    %reshape3A = vector.shape_cast %mul3A_7 : vector<1x25600xf32> to vector<200x128xf32>
    %swap3A = arith.constant 0 : index
    %swap3A_8 = arith.constant 0 : index
    %swap3A_9 = vector.load %arg2[%swap3A, %swap3A_8] : memref<200x128xf32, #tpu.memory_space<vmem>>, vector<200x128xf32>
    tpu.vector_store %arg2[%swap3A, %swap3A_8], %reshape3A {strides = array<i32>} : memref<200x128xf32, #tpu.memory_space<vmem>>, vector<200x128xf32>,
    return
  }
  func.func @transform_0(%arg0: i32) -> (i32, i32) {
    %c0_i32 = arith.constant 0 : i32
    %c0_i32_0 = arith.constant 0 : i32
    return %arg0, %c0_i32 : i32, i32
  }
  func.func @transform_1(%arg0: i32) -> (i32, i32) {
    %c0_i32 = arith.constant 0 : i32
    %c0_i32_0 = arith.constant 0 : i32
    return %arg0, %c0_i32 : i32, i32
  }
}

</mosaic_0001>

<sc_bundles>
// kernel: kernel.4.cloned.1.call-start
scs
__scs_entry_jumppad:
0x0: {  	(pc) =	sbr.rel $0x88, $3  }
0x1: {  	(tag) =	ssettag $0x0;
	lr =	simm.s32 $0x1  }
0x2: {  	[smem:$0x3F9E] =	sst lr;
	_ =	strace $0xD0000000  }
0x3: {  	_ = 	snop  }
0x4: {  	_ = 	snop  }
0x5: {  	_ = 	snop  }
0x6: {  	_ = 	snop  }
0x7: {  	_ = 	snop  }
__scs_overlays_trampoline_lowered:
0x8: {  	[smem:$0x3FAD] =	sst s0  }
0x9: {  	[smem:$0x3FAE] =	sst s1  }
0xa: {  	[smem:$0x3FAF] =	sst s2  }
0xb: {  	[smem:$0x3FB0] =	sst s3  }
0xc: {  	[smem:$0x3FB1] =	sst s4  }
0xd: {  	[smem:$0x3FB2] =	sst s5  }
0xe: {  	[smem:$0x3FB3] =	sst s6  }
0xf: {  	[smem:$0x3FB4] =	sst s7  }
0x10: {  	[smem:$0x3FB5] =	sst s8  }
0x11: {  	[smem:$0x3FB6] =	sst s9;
	s0 =	simm.s32 @!p0 $0x0  }
0x12: {  	s1 =	sld [smem:$0x3F9C];
	s0 =	simm.s32 @p0 $0x1  }
0x13: {  	[smem:$0x3FB7] =	sst s0;
	s0 =	simm.s32 @!p1 $0x0  }
0x14: {  	s2 =	sld [smem:$0x3F9B];
	s0 =	simm.s32 @p1 $0x1  }
0x15: {  	[smem:$0x3FB8] =	sst s0;
	s0 =	simm.s32 @!p2 $0x0  }
0x16: {  	s3 =	sld [smem:$0x3FDB];
	s0 =	simm.s32 @p2 $0x1  }
0x17: {  	s4 =	simm.s32 $0x1BF5;
	[smem:$0x3FBA] =	sst s0  }
0x18: {  	s0 =	sld [smem:$0x3F9D];
	_ =	swait.ge [sflag:s4], $0x0  }
0x19: {  	s7 =	sld [smem:$0x3F9E]  }
0x1a: {  	s8 =	sadd.s32 $0xFFFFE003, lr  }
0x1b: {  	s9 =	sadd.s32 $0xFFFFFEF7, lr;
	s5 =	simm.s32 $0xFFFFFFFF;
	p2 =	slt.u32 s8, $0xFFFFF086  }
0x1c: {  	p1 =	slt.u32 s9, $0xF7A;
	s5 =	simm.s32 @!p2 $0x0  }
0x1d: {  	s5 =	simm.s32 @p1 $0x1;
	p0 =	seq.s32 s7, s2  }
0x1e: {  	s7 =	smul.u32 @!p0 $0xF7A, s2;
	p2 =	seq.s32 @!p0 s5, $0x0  }
0x1f: {  	s9 =	smul.u32 $0xF7A, s1;
	s8 =	simm.s32 @!p0 $0x1BF5;
	p2 =	por !p2, p0  }
0x20: {  	[sflag:s8] =	ssyncset.s32 @!p0 $0xFFFFF086;
	s6 =	sadd.s32 @!p0 s3, s7;
	s7 =	simm.s32 @!p0 $0x108  }
0x21: {  	s3 =	sadd.s32 s3, s9;
	s6 =	sadd.s32 @!p0 $0x88, s6;
	s7 =	simm.s32 @p2 $0x1082  }
0x22: {  	[simem:s7], [sflag:s8] =	dma.local @!p0 [hbm:s6], $0xF7A  }
0x23: {  	s9 =	sor.u32 $0xD0000000, s2;
	s6 =	simm.s32 $0x108;
	_ =	swait.ge @!p0 [sflag:s8], $0x0  }
0x24: {  	s3 =	sadd.s32 $0x88, s3;
	s6 =	simm.s32 @!p1 $0x1082;
	[sflag:s4] =	ssyncset.s32 $0xFFFFF086  }
0x25: {  	[simem:s6], [sflag:s4] =	dma.local [hbm:s3], $0xF7A  }
0x26: {  	[smem:$0x3F9E] =	sst s1;
	(tag) =	ssettag s2;
	_ =	strace s9  }
0x27: {  	s1 =	sld [smem:$0x3FAE]  }
0x28: {  	s2 =	sld [smem:$0x3FAF]  }
0x29: {  	s4 =	sld [smem:$0x3FB1]  }
0x2a: {  	p0 =	seq.s32 s5, $0x0;
	s5 =	sld [smem:$0x3FB2]  }
0x2b: {  	s6 =	sld [smem:$0x3FB3]  }
0x2c: {  	s7 =	sld [smem:$0x3FB4]  }
0x2d: {  	s3 =	simm.s32 $0x108;
	s8 =	sld [smem:$0x3FB5]  }
0x2e: {  	s3 =	simm.s32 @!p0 $0x1082;
	s9 =	sld [smem:$0x3FB6]  }
0x2f: {  	lr =	sadd.s32 s0, s3;
	s0 =	sld [smem:$0x3FAD]  }
0x30: {  	s3 =	sld [smem:$0x3FB0]  }
0x31: {  	[smem:$0x3FB9] =	sst s10  }
0x32: {  	s10 =	sld [smem:$0x3FB7];
	_ =	sdelay $0x3  }
0x33: {  	p0 =	seq.s32 s10, $0x1;
	s10 =	sld [smem:$0x3FB9];
	_ =	sdelay $0x3  }
0x34: {  	[smem:$0x3FB9] =	sst s10  }
0x35: {  	s10 =	sld [smem:$0x3FB8];
	_ =	sdelay $0x3  }
0x36: {  	p1 =	seq.s32 s10, $0x1;
	s10 =	sld [smem:$0x3FB9];
	_ =	sdelay $0x3  }
0x37: {  	[smem:$0x3FB9] =	sst s10  }
0x38: {  	s10 =	sld [smem:$0x3FBA]  }
0x39: {  	_ = 	snop;
	(pc) =	sbr.ind lr, $3  }
0x3a: {  	_ = 	snop  }
0x3b: {  	_ = 	snop  }
0x3c: {  	p2 =	seq.s32 s10, $0x1;
	s10 =	sld [smem:$0x3FB9]  }
0x3d: {  	_ =	shalt  }
0x3e: {  	_ =	shalt  }
0x3f: {  	_ =	shalt  }
0x40: {  	_ =	shalt  }
0x41: {  	_ =	shalt  }
0x42: {  	_ =	shalt  }
0x43: {  	_ =	shalt  }
0x44: {  	_ =	shalt  }
0x45: {  	_ =	shalt  }
0x46: {  	_ =	shalt  }
0x47: {  	_ =	shalt  }
0x48: {  	_ =	shalt  }
0x49: {  	_ =	shalt  }
0x4a: {  	_ =	shalt  }
0x4b: {  	_ =	shalt  }
0x4c: {  	_ =	shalt  }
0x4d: {  	_ =	shalt  }
0x4e: {  	_ =	shalt  }
0x4f: {  	_ =	shalt  }
0x50: {  	_ =	shalt  }
0x51: {  	_ =	shalt  }
0x52: {  	_ =	shalt  }
0x53: {  	_ =	shalt  }
0x54: {  	_ =	shalt  }
0x55: {  	_ =	shalt  }
0x56: {  	_ =	shalt  }
0x57: {  	_ =	shalt  }
0x58: {  	_ =	shalt  }
0x59: {  	_ =	shalt  }
0x5a: {  	_ =	shalt  }
0x5b: {  	_ =	shalt  }
0x5c: {  	_ =	shalt  }
0x5d: {  	_ =	shalt  }
0x5e: {  	_ =	shalt  }
0x5f: {  	_ =	shalt  }
0x60: {  	_ =	shalt  }
0x61: {  	_ =	shalt  }
0x62: {  	_ =	shalt  }
0x63: {  	_ =	shalt  }
0x64: {  	_ =	shalt  }
0x65: {  	_ =	shalt  }
0x66: {  	_ =	shalt  }
0x67: {  	_ =	shalt  }
0x68: {  	_ =	shalt  }
0x69: {  	_ =	shalt  }
0x6a: {  	_ =	shalt  }
0x6b: {  	_ =	shalt  }
0x6c: {  	_ =	shalt  }
0x6d: {  	_ =	shalt  }
0x6e: {  	_ =	shalt  }
0x6f: {  	_ =	shalt  }
0x70: {  	_ =	shalt  }
0x71: {  	_ =	shalt  }
0x72: {  	_ =	shalt  }
0x73: {  	_ =	shalt  }
0x74: {  	_ =	shalt  }
0x75: {  	_ =	shalt  }
0x76: {  	_ =	shalt  }
0x77: {  	_ =	shalt  }
0x78: {  	_ =	shalt  }
0x79: {  	_ =	shalt  }
0x7a: {  	_ =	shalt  }
0x7b: {  	_ =	shalt  }
0x7c: {  	_ =	shalt  }
0x7d: {  	_ =	shalt  }
0x7e: {  	_ =	shalt  }
0x7f: {  	_ =	shalt  }
0x80: {  	_ =	shalt  }
0x81: {  	_ =	shalt  }
0x82: {  	_ =	shalt  }
0x83: {  	_ =	shalt  }
0x84: {  	_ =	shalt  }
0x85: {  	_ =	shalt  }
0x86: {  	_ =	shalt  }
0x87: {  	_ =	shalt  }
.Lfunc_end0:
.L_simem_size_0:
called_computation_lowered:
.L_overlay_start_0:
0x88: {  	s2 =	sld [smem:$0x3FD9]  }
0x89: {  	s3 =	sld [smem:$0x3FFE];
	_ =	sdelay $0x1  }
0x8a: {  	s1 =	srdreg.scid  }
0x8b: {  	s0 =	sand.u32 $0x1, s1  }
0x8c: {  	s17 =	sshll.u32 s0, $0xA;
	s2 =	sadd.s32 s3, s2  }
0x8d: {  	s2 =	sadd.s32 s2, s17  }
0x8e: {  	[smem:$0x3FC5] =	sst s2  }
0x8f: {  	_ = 	snop  }
0x90: {  	s2 =	sld [smem:$0x3FC8]  }
0x91: {  	s18 =	sld [smem:$0x3FD0];
	(tm) =	ssettm $0x1  }
0x92: {  	s4 =	sld [smem:$0x3FFB];
	_ =	sdelay $0x3  }
0x93: {  	_ =	strace s4  }
0x94: {  	s4 =	sld [smem:$0x3FFC];
	_ =	sdelay $0x3  }
0x95: {  	_ =	strace s4  }
0x96: {  	s4 =	sld [smem:$0x3FFD];
	_ =	sdelay $0x3  }
0x97: {  	_ =	strace s4  }
0x98: {  	_ =	strace $0x8FFFFFFF  }
0x99: {  	s19 =	sld [smem:$0x3FDB];
	_ =	sdelay $0x1  }
0x9a: {  	s5 =	simm.s32 $_scs_section_size  }
0x9b: {  	s6 =	simm.s32 $_size__tile_overlayer_lowered;
	s7 =	simm.s32 $_tile_overlayer_lowered  }
0x9c: {  	s22 =	simm.s32 $0x1BFF;
	s21 =	sshll.u32 s7, $0x1;
	s4 =	sadd.s32 s5, s19  }
0x9d: {  	s8 =	simm.s32 $0x0;
	s20 =	sshll.u32 s6, $0x1;
	s6 =	sadd.s32 s21, s4  }
0x9e: {  	[timem:s8], [sflag:s22] =	dma.local [hbm:s6], s20  }
0x9f: {  	_ =	swait.ge [sflag:s22], s20  }
0xa0: {  	s5 =	ssub.s32 $0x0, s20;
	[sflag:s22] =	ssyncset.done $0x0  }
0xa1: {  	[sflag:s22] =	ssyncadd.s32 s5;
	_ =	sdelay $0x1  }
0xa2: {  	s23 =	simm.s32 $0x1B8B  }
0xa3: {  	_ =	swait.ge [sflag:s23], $0x1  }
0xa4: {  	[sflag:s23] =	ssyncset.done $0x0  }
0xa5: {  	s25 =	simm.s32 $0x1B8E;
	s24 =	sld [smem:$0x3FFE];
	[sflag:s23] =	ssyncadd.s32 $0xFFFFFFFF  }
0xa6: {  	s26 =	simm.s32 $execute0_lowered;
	[smem:$0x3FD2] =	sst s25  }
0xa7: {  	s6 =	sshll.u32 s26, $0x1;
	_ =	strace $0x80000046;
	[dreg:$0x1] =	wrdreg $0xFFFFFFFF  }
0xa8: {  	s28 =	simm.s32 $_size_execute0_lowered;
	s4 =	sadd.s32 s4, s6;
	[dreg:$0x0] =	wrdreg $0x0  }
0xa9: {  	s6 =	sshll.u32 s28, $0x1;
	[dreg:$0x2] =	wrdreg s4  }
0xaa: {  	[dreg:$0x3] =	wrdreg s6  }
0xab: {  	[dreg:$0x4] =	wrdreg $0xC0  }
0xac: {  	_ =	task [dreg:s8], $0x5FFFF  }
0xad: {  	[dreg:$0x1] =	wrdreg $0xFFFFFFFF  }
0xae: {  	[dreg:$0x0] =	wrdreg $0x60  }
0xaf: {  	[dreg:$0x2] =	wrdreg s24  }
0xb0: {  	[dreg:$0x3] =	wrdreg s2  }
0xb1: {  	[dreg:$0x4] =	wrdreg s18  }
0xb2: {  	[dreg:$0x5] =	wrdreg $0x9  }
0xb3: {  	_ =	task.clear_ibuf [dreg:s8], $0x6FFFF;
	_ =	strace $0x90000046  }
0xb4: {  	s29 =	simm.s32 $0x9;
	_ =	strace $0x80000048  }
0xb5: {  	_ =	swait.ge [sflag:s29], $0x1  }
0xb6: {  	[sflag:s29] =	ssyncadd.s32 $0xFFFFFFFF  }
0xb7: {  	_ =	strace $0x90000048  }
0xb8: {  	_ =	sfence  }
0xb9: {  	s30 =	sld [smem:$0x0];
	_ =	sdelay $0x2  }
0xba: {  	s31 =	sshll.u32 s1, $0xD;
	s1 =	sshrl.u32 s1, $0x2  }
0xbb: {  	s3 =	sand.u32 $0x4000, s31;
	s1 =	sadd.s32 s1, s30  }
0xbc: {  	s0 =	sor.u32 s3, s0;
	s1 =	sshll.u32 s1, $0x11  }
0xbd: {  	s0 =	sor.u32 s1, s0  }
0xbe: {  	s0 =	sadd.s32 $0x8F2B, s0  }
0xbf: {  	[sflag:s0] =	ssyncadd.remote.s32 $0x1  }
0xc0: {  	_ =	sfence.sel $0xFFFF  }
0xc1: {  	[dreg:$0x0] =	wrdreg $0xFFFFFFFF;
	(pc) =	sbr.abs _section_cstart, $3  }
0xc2: {  	[dreg:$0x1] =	wrdreg $0xFFFFFFFF  }
0xc3: {  	_ =	task.clear_ibuf [dreg:s8], $0x2FFFF;
	_ =	strace $0x9FFFFFFF  }
0xc4: {  	(tm) =	ssettm $0x7FFFFFFF  }
0xc5: {  	_ =	shalt  }
tec
execute0_lowered:
.L_overlay_start_1:
0x0: {  	(tag) =	ssettag $0x1  }
0x1: {  	s0 =	rddreg [dreg:$0x0]  }
0x2: {  	s1 =	rddreg [dreg:$0x1]  }
0x3: {  	s2 =	srdreg.scid;
	s4 =	simm.s32 $0x0;
	s5 =	stileid.u32  }
0x4: {  	s10 =	simm.s32 $0x1;
	s11 =	simm.s32 $0x9C80;
	s12 =	simm.s32 $0x13980  }
.Ltmp0:
0x5: {  	s13 =	simm.s32 $0x0;
	s2 =	sand.u32 $0x1, s2;
	(pc) =	sbr.rel .LBB2_1-.Ltmp0, $4  }
0x6: {  	[smem:$0x7FF] =	sst s4;
	s3 =	sshll.u32 s2, $0x4;
	s2 =	ssub.s32 $0x2, s2  }
0x7: {  	_ =	strace $0x80000047;
	s3 =	sor.u32 s5, s3;
	s6 =	sshrl.u32 s2, $0x1  }
0x8: {  	v0 =	vlaneseq.u32;
	s5 =	sadd.s32 $0x61A8000, s0;
	s7 =	sshll.u32 s3, $0x1;
	s2 =	ssub.s32 s2, s6  }
0x9: {  	v23 =	vimm.f32 $0.0e+00;
	v0 =	vmul.u32 $0x10, v0;
	s6 =	smul.u32 $0x30D40, s3;
	s7 =	sadd.s32 s0, s7;
	s8 =	smax.u32 s2, $0x1  }
.LBB2_80:
0xa: {  	[tilespmem:$0x13980] =	vst v32  }
0xb: {  	[tilespmem:$0x13990] =	vst v31  }
0xc: {  	[tilespmem:$0x139A0] =	vst v30  }
0xd: {  	[tilespmem:$0x139B0] =	vst v29  }
0xe: {  	[tilespmem:$0x139C0] =	vst v28  }
0xf: {  	[tilespmem:$0x139D0] =	vst v27  }
0x10: {  	[tilespmem:$0x139E0] =	vst v26  }
0x11: {  	[tilespmem:$0x139F0] =	vst v25  }
0x12: {  	[tilespmem:$0x13A00] =	vst v24  }
0x13: {  	[tilespmem:$0x13A10] =	vst v21  }
0x14: {  	[tilespmem:$0x13A20] =	vst v19  }
0x15: {  	[tilespmem:$0x13A30] =	vst v17  }
0x16: {  	[tilespmem:$0x13A40] =	vst v14;
	v1 =	vor.u32 $0x1, v0  }
0x17: {  	[tilespmem:$0x13A50] =	vst v11  }
0x18: {  	[tilespmem:$0x13A60] =	vst v8;
	v2 =	vor.u32 $0x2, v0  }
0x19: {  	[tilespmem:$0x13A70] =	vst v5  }
0x1a: {  	v3 =	vld.idx.msk [tilespmem:v0+s12+$0x0], $0xffff;
	v4 =	vor.u32 $0x3, v0  }
0x1b: {  	v1 =	vld.idx.msk [tilespmem:v1+s12+$0x0], $0xffff  }
0x1c: {  	v57 =	vor.u32 $0x4, v0  }
0x1d: {  	v2 =	vld.idx.msk [tilespmem:v2+s12+$0x0], $0xffff  }
0x1e: {  	v6 =	vor.u32 $0x5, v0  }
0x1f: {  	v4 =	vld.idx.msk [tilespmem:v4+s12+$0x0], $0xffff  }
0x20: {  	v1 =	vadd.f32 v1, v3;
	v3 =	vor.u32 $0x6, v0  }
0x21: {  	v5 =	vld.idx.msk [tilespmem:v57+s12+$0x0], $0xffff  }
0x22: {  	v1 =	vadd.f32 v2, v1;
	v2 =	vor.u32 $0x7, v0  }
0x23: {  	v6 =	vld.idx.msk [tilespmem:v6+s12+$0x0], $0xffff  }
0x24: {  	v58 =	vor.u32 $0x8, v0;
	v1 =	vadd.f32 v4, v1  }
0x25: {  	v3 =	vld.idx.msk [tilespmem:v3+s12+$0x0], $0xffff  }
0x26: {  	v59 =	vor.u32 $0x9, v0;
	v1 =	vadd.f32 v5, v1  }
0x27: {  	v2 =	vld.idx.msk [tilespmem:v2+s12+$0x0], $0xffff  }
0x28: {  	v60 =	vor.u32 $0xA, v0;
	v1 =	vadd.f32 v6, v1  }
0x29: {  	v4 =	vld.idx.msk [tilespmem:v58+s12+$0x0], $0xffff  }
0x2a: {  	v1 =	vadd.f32 v3, v1;
	v3 =	vor.u32 $0xB, v0  }
0x2b: {  	v5 =	vld.idx.msk [tilespmem:v59+s12+$0x0], $0xffff  }
0x2c: {  	v1 =	vadd.f32 v2, v1;
	v2 =	vor.u32 $0xC, v0  }
0x2d: {  	v6 =	vld.idx.msk [tilespmem:v60+s12+$0x0], $0xffff  }
0x2e: {  	v61 =	vor.u32 $0xD, v0;
	v1 =	vadd.f32 v4, v1  }
0x2f: {  	v3 =	vld.idx.msk [tilespmem:v3+s12+$0x0], $0xffff  }
0x30: {  	v62 =	vor.u32 $0xE, v0;
	v1 =	vadd.f32 v5, v1  }
0x31: {  	v2 =	vld.idx.msk [tilespmem:v2+s12+$0x0], $0xffff  }
0x32: {  	v63 =	vor.u32 $0xF, v0;
	v1 =	vadd.f32 v6, v1  }
0x33: {  	v4 =	vld.idx.msk [tilespmem:v61+s12+$0x0], $0xffff  }
0x34: {  	v1 =	vadd.f32 v3, v1  }
0x35: {  	v3 =	vld.idx.msk [tilespmem:v62+s12+$0x0], $0xffff  }
0x36: {  	v1 =	vadd.f32 v2, v1  }
0x37: {  	v2 =	vld.idx.msk [tilespmem:v63+s12+$0x0], $0xffff  }
0x38: {  	v1 =	vadd.f32 v4, v1;
	_ =	sdelay $0x1  }
0x39: {  	v1 =	vadd.f32 v3, v1;
	_ =	sdelay $0x1  }
0x3a: {  	s13 =	sadd.s32 $0x1, s13;
	v1 =	vadd.f32 v2, v1  }
0x3b: {  	p0 =	sne.s32 s13, s8  }
.Ltmp1:
0x3c: {  	[tilespmem:$0x13980] =	vst v1;
	(pc) =	sbr.rel @!p0 .LBB2_81-.Ltmp1, $4  }
0x3d: {  	[hbm4b:s7+s4] =	stream.linear.scatter [tilespmem:s12], [sflag:$0x1], $0x10, $0x38;
	[tilespmem:$0x13A80] =	vst v63  }
0x3e: {  	_ =	swait.ge [sflag:s10], $0x10  }
0x3f: {  	[sflag:s10] =	ssyncset.done $0x0  }
0x40: {  	[sflag:s10] =	ssyncadd.s32 $0xFFFFFFF0  }
.LBB2_1:
0x41: {  	s0 =	rddreg [dreg:$0x2];
	s2 =	simm.s32 $0x13900  }
0x42: {  	[tilespmem:s2], [sflag:$0x1] =	stream.linear.gather [hbm4b:s0+s4], $0x80, $0x38;
	[tilespmem:$0x13A80] =	vst v63  }
0x43: {  	_ =	swait.ge [sflag:s10], $0x80  }
0x44: {  	[sflag:s10] =	ssyncset.done $0x0  }
0x45: {  	[sflag:s10] =	ssyncadd.s32 $0xFFFFFF80  }
0x46: {  	v5 =	vld [tilespmem:$0x13900];
	_ =	sdelay $0x4  }
0x47: {  	(v2sf) =	vpush v5, $0x0  }
0x48: {  	(v2sf) =	vpush v5, $0x1  }
0x49: {  	(v2sf) =	vpush v5, $0x2  }
0x4a: {  	(v2sf) =	vpush v5, $0x3  }
0x4b: {  	(v2sf) =	vpush v5, $0x4  }
0x4c: {  	(v2sf) =	vpush v5, $0x5  }
0x4d: {  	(v2sf) =	vpush v5, $0x6  }
0x4e: {  	(v2sf) =	vpush v5, $0x7  }
0x4f: {  	(v2sf) =	vpush v5, $0x8  }
0x50: {  	(v2sf) =	vpush v5, $0x9  }
0x51: {  	(v2sf) =	vpush v5, $0xA  }
0x52: {  	(v2sf) =	vpush v5, $0xB  }
0x53: {  	(v2sf) =	vpush v5, $0xC  }
0x54: {  	(v2sf) =	vpush v5, $0xD  }
0x55: {  	(v2sf) =	vpush v5, $0xE  }
0x56: {  	s14 =	spop (v2sf)  }
0x57: {  	s15 =	spop (v2sf)  }
0x58: {  	s16 =	spop (v2sf)  }
0x59: {  	s17 =	spop (v2sf)  }
0x5a: {  	v8 =	vimm.f32 $0.0e+00;
	s18 =	spop (v2sf)  }
0x5b: {  	v11 =	vimm.f32 $0.0e+00;
	v14 =	vimm.f32 $0.0e+00;
	v17 =	vimm.f32 $0.0e+00;
	s19 =	spop (v2sf)  }
0x5c: {  	v19 =	vimm.f32 $0.0e+00;
	v21 =	vimm.f32 $0.0e+00;
	v24 =	vimm.f32 $0.0e+00;
	s20 =	spop (v2sf)  }
0x5d: {  	v25 =	vimm.f32 $0.0e+00;
	v26 =	vimm.f32 $0.0e+00;
	v1 =	vbroadcast v5, $0x0;
	s21 =	spop (v2sf)  }
0x5e: {  	v27 =	vimm.f32 $0.0e+00;
	v2 =	vbroadcast v5, $0x1;
	v3 =	vbroadcast v5, $0x2;
	s22 =	spop (v2sf)  }
0x5f: {  	v28 =	vimm.f32 $0.0e+00;
	v4 =	vbroadcast v5, $0x3;
	v6 =	vbroadcast v5, $0x4;
	s23 =	spop (v2sf)  }
.Ltmp2:
0x60: {  	v29 =	vimm.f32 $0.0e+00;
	v7 =	vbroadcast v5, $0x5;
	v9 =	vbroadcast v5, $0x6;
	s24 =	spop (v2sf);
	(pc) =	sbr.rel .LBB2_2-.Ltmp2, $4  }
0x61: {  	v30 =	vimm.f32 $0.0e+00;
	v10 =	vbroadcast v5, $0x7;
	v12 =	vbroadcast v5, $0x8;
	s25 =	spop (v2sf)  }
0x62: {  	v31 =	vimm.f32 $0.0e+00;
	v13 =	vbroadcast v5, $0x9;
	v15 =	vbroadcast v5, $0xA;
	s26 =	spop (v2sf)  }
0x63: {  	v32 =	vimm.f32 $0.0e+00;
	v16 =	vbroadcast v5, $0xB;
	v18 =	vbroadcast v5, $0xC;
	s28 =	spop (v2sf)  }
0x64: {  	s30 =	simm.s32 $0x0;
	v20 =	vbroadcast v5, $0xD;
	v22 =	vbroadcast v5, $0xE;
	v5 =	vimm.f32 $0.0e+00;
	s29 =	spop (v2sf)  }
.LBB2_78:
0x65: {  	p0 =	sgt.s32 s29, s31  }
0x66: {  	v48 =	vpsel !p0, $0x0, v33  }
.LBB2_79:
0x67: {  	_ = 	snop  }
0x68: {  	v32 =	vadd.f32 v34, v32;
	v31 =	vadd.f32 v35, v31  }
0x69: {  	s30 =	sadd.s32 $0x1, s30;
	v30 =	vadd.f32 v36, v30;
	v29 =	vadd.f32 v37, v29  }
0x6a: {  	v28 =	vadd.f32 v38, v28;
	v27 =	vadd.f32 v39, v27;
	p0 =	sne.s32 s30, $0x5  }
.Ltmp3:
0x6b: {  	v26 =	vadd.f32 v40, v26;
	v25 =	vadd.f32 v41, v25;
	(pc) =	sbr.rel @!p0 .LBB2_80-.Ltmp3, $4  }
0x6c: {  	v24 =	vadd.f32 v42, v24;
	v21 =	vadd.f32 v43, v21  }
0x6d: {  	v19 =	vadd.f32 v44, v19;
	v17 =	vadd.f32 v45, v17  }
0x6e: {  	v14 =	vadd.f32 v46, v14;
	v11 =	vadd.f32 v47, v11  }
0x6f: {  	v8 =	vadd.f32 v48, v8;
	v5 =	vadd.f32 v33, v5  }
.LBB2_2:
0x70: {  	s0 =	smul.u32 $0x9C40, s30;
	_ =	sdelay $0x1  }
0x71: {  	s0 =	sadd.s32 s6, s0  }
0x72: {  	s0 =	sshrl.u32 s0, $0x3  }
0x73: {  	s2 =	sadd.s32 s5, s0  }
0x74: {  	[tilespmem:s4], [sflag:$0x1] =	stream.linear.gather [hbm4b:s2+s4], $0x9C40, $0x38;
	[tilespmem:$0x13A80] =	vst v63  }
0x75: {  	_ =	swait.ge [sflag:s10], $0x9C40  }
0x76: {  	[sflag:s10] =	ssyncset.done $0x0  }
0x77: {  	s0 =	sadd.s32 s1, s0;
	[sflag:s10] =	ssyncadd.s32 $0xFFFF63C0  }
0x78: {  	[tilespmem:s11], [sflag:$0x1] =	stream.linear.gather [hbm4b:s0+s4], $0x9C40, $0x38;
	[tilespmem:$0x13A80] =	vst v63  }
0x79: {  	_ =	swait.ge [sflag:s10], $0x9C40  }
0x7a: {  	[sflag:s10] =	ssyncset.done $0x0  }
0x7b: {  	s31 =	simm.s32 $0x40;
	[sflag:s10] =	ssyncadd.s32 $0xFFFF63C0  }
0x7c: {  	v33 =	vld [tilespmem:s31+$0xFFFFFFC0];
	_ =	sdelay $0x1  }
0x7d: {  	v34 =	vld [tilespmem:s31+$0xFFFFFFD0];
	_ =	sdelay $0x1  }
0x7e: {  	v35 =	vld [tilespmem:s31+$0xFFFFFFE0]  }
0x7f: {  	v33 =	vadd.f32 v33, v23  }
0x80: {  	v36 =	vld [tilespmem:s31+$0xFFFFFFF0]  }
0x81: {  	v33 =	vadd.f32 v34, v33  }
0x82: {  	v37 =	vld [tilespmem:s31+$0x0]  }
0x83: {  	v33 =	vadd.f32 v35, v33;
	_ =	sdelay $0x1  }
0x84: {  	v38 =	vld [tilespmem:s31+$0x10];
	v35 =	vadd.f32 v36, v33;
	_ =	sdelay $0x1  }
0x85: {  	v37 =	vadd.f32 v37, v35;
	v35 =	vld [tilespmem:s31+$0x20]  }
0x86: {  	v34 =	vld [tilespmem:$0x138B0]  }
0x87: {  	v36 =	vld [tilespmem:s31+$0x30]  }
0x88: {  	s2 =	simm.s32 $0xC0;
	s0 =	simm.s32 $0x0;
	v33 =	vld [tilespmem:$0x9C80];
	v37 =	vadd.f32 v38, v37  }
.LBB2_3:
0x89: {  	v38 =	vld [tilespmem:s2+$0xFFFFFFC0];
	s0 =	sadd.s32 $0x8, s0  }
0x8a: {  	p0 =	slt.u32 s0, $0x9B8;
	v35 =	vadd.f32 v35, v37  }
0x8b: {  	v37 =	vld [tilespmem:s2+$0xFFFFFFD0]  }
0x8c: {  	v35 =	vadd.f32 v36, v35  }
0x8d: {  	v36 =	vld [tilespmem:s2+$0xFFFFFFE0]  }
0x8e: {  	v35 =	vadd.f32 v38, v35  }
0x8f: {  	v38 =	vld [tilespmem:s2+$0xFFFFFFF0]  }
0x90: {  	v35 =	vadd.f32 v37, v35  }
0x91: {  	v37 =	vld [tilespmem:s2+$0x0]  }
0x92: {  	v35 =	vadd.f32 v36, v35  }
0x93: {  	v39 =	vld [tilespmem:s2+$0x10]  }
.Ltmp4:
0x94: {  	v36 =	vadd.f32 v38, v35;
	(pc) =	sbr.rel @p0 .LBB2_3-.Ltmp4, $4  }
0x95: {  	v35 =	vld [tilespmem:s2+$0x20]  }
0x96: {  	v37 =	vadd.f32 v37, v36  }
0x97: {  	v36 =	vld [tilespmem:s2+$0x30]  }
0x98: {  	s2 =	sadd.s32 $0x80, s2;
	v37 =	vadd.f32 v39, v37  }
0x99: {  	(v2sf) =	vpush v33, $0x0  }
0x9a: {  	(v2sf) =	vpush v34, $0xF;
	_ =	sdelay $0xa  }
0x9b: {  	v59 =	vld [tilespmem:$0x9C00]  }
0x9c: {  	v60 =	vadd.f32 v35, v37  }
0x9d: {  	v61 =	vld [tilespmem:$0x9C10]  }
0x9e: {  	v34 =	vadd.f32 v36, v60;
	s0 =	spop (v2sf)  }
0x9f: {  	v62 =	vld [tilespmem:$0x9C20];
	s31 =	spop (v2sf);
	p0 =	sle.s32 s14, s0  }
0xa0: {  	v33 =	vadd.f32 v59, v34;
	p1 =	sgt.s32 @!p0 s14, s31  }
0xa1: {  	v63 =	vld [tilespmem:$0x9C30];
	p0 =	por p0, p1  }
.Ltmp5:
0xa2: {  	v33 =	vadd.f32 v61, v33;
	(pc) =	sbr.rel @p0 .LBB2_8-.Ltmp5, $3  }
0xa3: {  	_ = 	snop  }
0xa4: {  	v33 =	vadd.f32 v62, v33;
	_ =	sdelay $0x1  }
0xa5: {  	v33 =	vadd.f32 v63, v33  }
0xa6: {  	s2 =	simm.s32 $0x9CA0  }
0xa7: {  	s3 =	simm.s32 $0x20;
	v35 =	vld [tilespmem:s2+$0xFFFFFFE0]  }
0xa8: {  	v37 =	vld [tilespmem:s3+$0xFFFFFFE0]  }
0xa9: {  	v38 =	vld [tilespmem:s2+$0xFFFFFFF0]  }
0xaa: {  	v36 =	vld [tilespmem:s3+$0xFFFFFFF0]  }
0xab: {  	v34 =	vld [tilespmem:s2+$0x0]  }
0xac: {  	vm0 =	vlt.s32 v35, v1;
	v35 =	vld [tilespmem:s3+$0x0]  }
0xad: {  	v39 =	vimm.f32 $0.0e+00;
	v40 =	vnsel vm0, $0x0, v37;
	v37 =	vld [tilespmem:s2+$0x10]  }
0xae: {  	s9 =	simm.s32 $0x9CE0;
	s2 =	simm.s32 $0x0;
	vm0 =	vlt.s32 v38, v1;
	v38 =	vld [tilespmem:s3+$0x10];
	v39 =	vadd.f32 v40, v39  }
.LBB2_6:
0xaf: {  	v40 =	vld [tilespmem:s9+$0xFFFFFFE0];
	s2 =	sadd.s32 $0x4, s2;
	v36 =	vnsel vm0, $0x0, v36;
	s3 =	sadd.s32 $0x40, s3  }
0xb0: {  	v41 =	vld [tilespmem:s3+$0xFFFFFFE0];
	p0 =	slt.u32 s2, $0x9C0;
	v39 =	vadd.f32 v36, v39;
	vm0 =	vlt.s32 v34, v1  }
0xb1: {  	v42 =	vld [tilespmem:s9+$0xFFFFFFF0];
	v34 =	vnsel vm0, $0x0, v35  }
.Ltmp6:
0xb2: {  	v36 =	vld [tilespmem:s3+$0xFFFFFFF0];
	v39 =	vadd.f32 v34, v39;
	vm0 =	vlt.s32 v37, v1;
	(pc) =	sbr.rel @p0 .LBB2_6-.Ltmp6, $4  }
0xb3: {  	v34 =	vld [tilespmem:s9+$0x0];
	v37 =	vnsel vm0, $0x0, v38  }
0xb4: {  	vm0 =	vlt.s32 v40, v1;
	v35 =	vld [tilespmem:s3+$0x0];
	v38 =	vadd.f32 v37, v39  }
0xb5: {  	v39 =	vnsel vm0, $0x0, v41;
	v37 =	vld [tilespmem:s9+$0x10]  }
0xb6: {  	s9 =	sadd.s32 $0x40, s9;
	v39 =	vadd.f32 v39, v38;
	vm0 =	vlt.s32 v42, v1;
	v38 =	vld [tilespmem:s3+$0x10]  }
0xb7: {  	v36 =	vnsel vm0, $0x0, v36  }
.Ltmp7:
0xb8: {  	v36 =	vadd.f32 v36, v39;
	vm14 =	vlt.s32 v34, v1;
	(pc) =	sbr.rel .LBB2_9-.Ltmp7, $4  }
0xb9: {  	v34 =	vnsel vm14, $0x0, v35  }
0xba: {  	v34 =	vadd.f32 v34, v36;
	vm15 =	vlt.s32 v37, v1  }
0xbb: {  	v63 =	vnsel vm15, $0x0, v38  }
0xbc: {  	v34 =	vadd.f32 v63, v34  }
.LBB2_8:
0xbd: {  	p0 =	sgt.s32 s14, s31  }
0xbe: {  	v34 =	vpsel !p0, $0x0, v33  }
.LBB2_9:
0xbf: {  	p0 =	sle.s32 s15, s0  }
0xc0: {  	p1 =	sgt.s32 @!p0 s15, s31  }
0xc1: {  	p0 =	por p0, p1  }
.Ltmp8:
0xc2: {  	_ = 	snop;
	(pc) =	sbr.rel @p0 .LBB2_13-.Ltmp8, $1  }
0xc3: {  	_ =	sdelay $0x3  }
0xc4: {  	s2 =	simm.s32 $0x9CA0  }
0xc5: {  	s3 =	simm.s32 $0x20;
	v36 =	vld [tilespmem:s2+$0xFFFFFFE0]  }
0xc6: {  	v38 =	vld [tilespmem:s3+$0xFFFFFFE0]  }
0xc7: {  	v39 =	vld [tilespmem:s2+$0xFFFFFFF0]  }
0xc8: {  	v37 =	vld [tilespmem:s3+$0xFFFFFFF0]  }
0xc9: {  	v35 =	vld [tilespmem:s2+$0x0]  }
0xca: {  	vm0 =	vlt.s32 v36, v2;
	v36 =	vld [tilespmem:s3+$0x0]  }
0xcb: {  	v40 =	vimm.f32 $0.0e+00;
	v41 =	vnsel vm0, $0x0, v38;
	v38 =	vld [tilespmem:s2+$0x10]  }
0xcc: {  	s9 =	simm.s32 $0x9CE0;
	s2 =	simm.s32 $0x0;
	vm0 =	vlt.s32 v39, v2;
	v39 =	vld [tilespmem:s3+$0x10];
	v40 =	vadd.f32 v41, v40  }
.LBB2_11:
0xcd: {  	v41 =	vld [tilespmem:s9+$0xFFFFFFE0];
	s2 =	sadd.s32 $0x4, s2;
	v37 =	vnsel vm0, $0x0, v37;
	s3 =	sadd.s32 $0x40, s3  }
0xce: {  	v42 =	vld [tilespmem:s3+$0xFFFFFFE0];
	p0 =	slt.u32 s2, $0x9C0;
	v40 =	vadd.f32 v37, v40;
	vm0 =	vlt.s32 v35, v2  }
0xcf: {  	v43 =	vld [tilespmem:s9+$0xFFFFFFF0];
	v35 =	vnsel vm0, $0x0, v36  }
.Ltmp9:
0xd0: {  	v37 =	vld [tilespmem:s3+$0xFFFFFFF0];
	v40 =	vadd.f32 v35, v40;
	vm0 =	vlt.s32 v38, v2;
	(pc) =	sbr.rel @p0 .LBB2_11-.Ltmp9, $4  }
0xd1: {  	v35 =	vld [tilespmem:s9+$0x0];
	v38 =	vnsel vm0, $0x0, v39  }
0xd2: {  	vm0 =	vlt.s32 v41, v2;
	v36 =	vld [tilespmem:s3+$0x0];
	v39 =	vadd.f32 v38, v40  }
0xd3: {  	v40 =	vnsel vm0, $0x0, v42;
	v38 =	vld [tilespmem:s9+$0x10]  }
0xd4: {  	s9 =	sadd.s32 $0x40, s9;
	v40 =	vadd.f32 v40, v39;
	vm0 =	vlt.s32 v43, v2;
	v39 =	vld [tilespmem:s3+$0x10]  }
0xd5: {  	v37 =	vnsel vm0, $0x0, v37  }
.Ltmp10:
0xd6: {  	v37 =	vadd.f32 v37, v40;
	vm14 =	vlt.s32 v35, v2;
	(pc) =	sbr.rel .LBB2_14-.Ltmp10, $4  }
0xd7: {  	v35 =	vnsel vm14, $0x0, v36  }
0xd8: {  	v35 =	vadd.f32 v35, v37;
	vm15 =	vlt.s32 v38, v2  }
0xd9: {  	v63 =	vnsel vm15, $0x0, v39  }
0xda: {  	v35 =	vadd.f32 v63, v35  }
.LBB2_13:
0xdb: {  	p0 =	sgt.s32 s15, s31  }
0xdc: {  	v35 =	vpsel !p0, $0x0, v33  }
.LBB2_14:
0xdd: {  	p0 =	sle.s32 s16, s0  }
0xde: {  	p1 =	sgt.s32 @!p0 s16, s31  }
0xdf: {  	p0 =	por p0, p1  }
.Ltmp11:
0xe0: {  	_ = 	snop;
	(pc) =	sbr.rel @p0 .LBB2_18-.Ltmp11, $1  }
0xe1: {  	_ =	sdelay $0x3  }
0xe2: {  	s2 =	simm.s32 $0x9CA0  }
0xe3: {  	s3 =	simm.s32 $0x20;
	v37 =	vld [tilespmem:s2+$0xFFFFFFE0]  }
0xe4: {  	v39 =	vld [tilespmem:s3+$0xFFFFFFE0]  }
0xe5: {  	v40 =	vld [tilespmem:s2+$0xFFFFFFF0]  }
0xe6: {  	v38 =	vld [tilespmem:s3+$0xFFFFFFF0]  }
0xe7: {  	v36 =	vld [tilespmem:s2+$0x0]  }
0xe8: {  	vm0 =	vlt.s32 v37, v3;
	v37 =	vld [tilespmem:s3+$0x0]  }
0xe9: {  	v41 =	vimm.f32 $0.0e+00;
	v42 =	vnsel vm0, $0x0, v39;
	v39 =	vld [tilespmem:s2+$0x10]  }
0xea: {  	s9 =	simm.s32 $0x9CE0;
	s2 =	simm.s32 $0x0;
	vm0 =	vlt.s32 v40, v3;
	v40 =	vld [tilespmem:s3+$0x10];
	v41 =	vadd.f32 v42, v41  }
.LBB2_16:
0xeb: {  	v42 =	vld [tilespmem:s9+$0xFFFFFFE0];
	s2 =	sadd.s32 $0x4, s2;
	v38 =	vnsel vm0, $0x0, v38;
	s3 =	sadd.s32 $0x40, s3  }
0xec: {  	v43 =	vld [tilespmem:s3+$0xFFFFFFE0];
	p0 =	slt.u32 s2, $0x9C0;
	v41 =	vadd.f32 v38, v41;
	vm0 =	vlt.s32 v36, v3  }
0xed: {  	v44 =	vld [tilespmem:s9+$0xFFFFFFF0];
	v36 =	vnsel vm0, $0x0, v37  }
.Ltmp12:
0xee: {  	v38 =	vld [tilespmem:s3+$0xFFFFFFF0];
	v41 =	vadd.f32 v36, v41;
	vm0 =	vlt.s32 v39, v3;
	(pc) =	sbr.rel @p0 .LBB2_16-.Ltmp12, $4  }
0xef: {  	v36 =	vld [tilespmem:s9+$0x0];
	v39 =	vnsel vm0, $0x0, v40  }
0xf0: {  	vm0 =	vlt.s32 v42, v3;
	v37 =	vld [tilespmem:s3+$0x0];
	v40 =	vadd.f32 v39, v41  }
0xf1: {  	v41 =	vnsel vm0, $0x0, v43;
	v39 =	vld [tilespmem:s9+$0x10]  }
0xf2: {  	s9 =	sadd.s32 $0x40, s9;
	v41 =	vadd.f32 v41, v40;
	vm0 =	vlt.s32 v44, v3;
	v40 =	vld [tilespmem:s3+$0x10]  }
0xf3: {  	v38 =	vnsel vm0, $0x0, v38  }
.Ltmp13:
0xf4: {  	v38 =	vadd.f32 v38, v41;
	vm14 =	vlt.s32 v36, v3;
	(pc) =	sbr.rel .LBB2_19-.Ltmp13, $4  }
0xf5: {  	v36 =	vnsel vm14, $0x0, v37  }
0xf6: {  	v36 =	vadd.f32 v36, v38;
	vm15 =	vlt.s32 v39, v3  }
0xf7: {  	v63 =	vnsel vm15, $0x0, v40  }
0xf8: {  	v36 =	vadd.f32 v63, v36  }
.LBB2_18:
0xf9: {  	p0 =	sgt.s32 s16, s31  }
0xfa: {  	v36 =	vpsel !p0, $0x0, v33  }
.LBB2_19:
0xfb: {  	p0 =	sle.s32 s17, s0  }
0xfc: {  	p1 =	sgt.s32 @!p0 s17, s31  }
0xfd: {  	p0 =	por p0, p1  }
.Ltmp14:
0xfe: {  	_ = 	snop;
	(pc) =	sbr.rel @p0 .LBB2_23-.Ltmp14, $1  }
0xff: {  	_ =	sdelay $0x3  }
0x100: {  	s2 =	simm.s32 $0x9CA0  }
0x101: {  	s3 =	simm.s32 $0x20;
	v38 =	vld [tilespmem:s2+$0xFFFFFFE0]  }
0x102: {  	v40 =	vld [tilespmem:s3+$0xFFFFFFE0]  }
0x103: {  	v41 =	vld [tilespmem:s2+$0xFFFFFFF0]  }
0x104: {  	v39 =	vld [tilespmem:s3+$0xFFFFFFF0]  }
0x105: {  	v37 =	vld [tilespmem:s2+$0x0]  }
0x106: {  	vm0 =	vlt.s32 v38, v4;
	v38 =	vld [tilespmem:s3+$0x0]  }
0x107: {  	v42 =	vimm.f32 $0.0e+00;
	v43 =	vnsel vm0, $0x0, v40;
	v40 =	vld [tilespmem:s2+$0x10]  }
0x108: {  	s9 =	simm.s32 $0x9CE0;
	s2 =	simm.s32 $0x0;
	vm0 =	vlt.s32 v41, v4;
	v41 =	vld [tilespmem:s3+$0x10];
	v42 =	vadd.f32 v43, v42  }
.LBB2_21:
0x109: {  	v43 =	vld [tilespmem:s9+$0xFFFFFFE0];
	s2 =	sadd.s32 $0x4, s2;
	v39 =	vnsel vm0, $0x0, v39;
	s3 =	sadd.s32 $0x40, s3  }
0x10a: {  	v44 =	vld [tilespmem:s3+$0xFFFFFFE0];
	p0 =	slt.u32 s2, $0x9C0;
	v42 =	vadd.f32 v39, v42;
	vm0 =	vlt.s32 v37, v4  }
0x10b: {  	v45 =	vld [tilespmem:s9+$0xFFFFFFF0];
	v37 =	vnsel vm0, $0x0, v38  }
.Ltmp15:
0x10c: {  	v39 =	vld [tilespmem:s3+$0xFFFFFFF0];
	v42 =	vadd.f32 v37, v42;
	vm0 =	vlt.s32 v40, v4;
	(pc) =	sbr.rel @p0 .LBB2_21-.Ltmp15, $4  }
0x10d: {  	v37 =	vld [tilespmem:s9+$0x0];
	v40 =	vnsel vm0, $0x0, v41  }
0x10e: {  	vm0 =	vlt.s32 v43, v4;
	v38 =	vld [tilespmem:s3+$0x0];
	v41 =	vadd.f32 v40, v42  }
0x10f: {  	v42 =	vnsel vm0, $0x0, v44;
	v40 =	vld [tilespmem:s9+$0x10]  }
0x110: {  	s9 =	sadd.s32 $0x40, s9;
	v42 =	vadd.f32 v42, v41;
	vm0 =	vlt.s32 v45, v4;
	v41 =	vld [tilespmem:s3+$0x10]  }
0x111: {  	v39 =	vnsel vm0, $0x0, v39  }
.Ltmp16:
0x112: {  	v39 =	vadd.f32 v39, v42;
	vm14 =	vlt.s32 v37, v4;
	(pc) =	sbr.rel .LBB2_24-.Ltmp16, $4  }
0x113: {  	v37 =	vnsel vm14, $0x0, v38  }
0x114: {  	v37 =	vadd.f32 v37, v39;
	vm15 =	vlt.s32 v40, v4  }
0x115: {  	v63 =	vnsel vm15, $0x0, v41  }
0x116: {  	v37 =	vadd.f32 v63, v37  }
.LBB2_23:
0x117: {  	p0 =	sgt.s32 s17, s31  }
0x118: {  	v37 =	vpsel !p0, $0x0, v33  }
.LBB2_24:
0x119: {  	p0 =	sle.s32 s18, s0  }
0x11a: {  	p1 =	sgt.s32 @!p0 s18, s31  }
0x11b: {  	p0 =	por p0, p1  }
.Ltmp17:
0x11c: {  	_ = 	snop;
	(pc) =	sbr.rel @p0 .LBB2_28-.Ltmp17, $1  }
0x11d: {  	_ =	sdelay $0x3  }
0x11e: {  	s2 =	simm.s32 $0x9CA0  }
0x11f: {  	s3 =	simm.s32 $0x20;
	v39 =	vld [tilespmem:s2+$0xFFFFFFE0]  }
0x120: {  	v41 =	vld [tilespmem:s3+$0xFFFFFFE0]  }
0x121: {  	v42 =	vld [tilespmem:s2+$0xFFFFFFF0]  }
0x122: {  	v40 =	vld [tilespmem:s3+$0xFFFFFFF0]  }
0x123: {  	v38 =	vld [tilespmem:s2+$0x0]  }
0x124: {  	vm0 =	vlt.s32 v39, v6;
	v39 =	vld [tilespmem:s3+$0x0]  }
0x125: {  	v43 =	vimm.f32 $0.0e+00;
	v44 =	vnsel vm0, $0x0, v41;
	v41 =	vld [tilespmem:s2+$0x10]  }
0x126: {  	s9 =	simm.s32 $0x9CE0;
	s2 =	simm.s32 $0x0;
	vm0 =	vlt.s32 v42, v6;
	v42 =	vld [tilespmem:s3+$0x10];
	v43 =	vadd.f32 v44, v43  }
.LBB2_26:
0x127: {  	v44 =	vld [tilespmem:s9+$0xFFFFFFE0];
	s2 =	sadd.s32 $0x4, s2;
	v40 =	vnsel vm0, $0x0, v40;
	s3 =	sadd.s32 $0x40, s3  }
0x128: {  	v45 =	vld [tilespmem:s3+$0xFFFFFFE0];
	p0 =	slt.u32 s2, $0x9C0;
	v43 =	vadd.f32 v40, v43;
	vm0 =	vlt.s32 v38, v6  }
0x129: {  	v46 =	vld [tilespmem:s9+$0xFFFFFFF0];
	v38 =	vnsel vm0, $0x0, v39  }
.Ltmp18:
0x12a: {  	v40 =	vld [tilespmem:s3+$0xFFFFFFF0];
	v43 =	vadd.f32 v38, v43;
	vm0 =	vlt.s32 v41, v6;
	(pc) =	sbr.rel @p0 .LBB2_26-.Ltmp18, $4  }
0x12b: {  	v38 =	vld [tilespmem:s9+$0x0];
	v41 =	vnsel vm0, $0x0, v42  }
0x12c: {  	vm0 =	vlt.s32 v44, v6;
	v39 =	vld [tilespmem:s3+$0x0];
	v42 =	vadd.f32 v41, v43  }
0x12d: {  	v43 =	vnsel vm0, $0x0, v45;
	v41 =	vld [tilespmem:s9+$0x10]  }
0x12e: {  	s9 =	sadd.s32 $0x40, s9;
	v43 =	vadd.f32 v43, v42;
	vm0 =	vlt.s32 v46, v6;
	v42 =	vld [tilespmem:s3+$0x10]  }
0x12f: {  	v40 =	vnsel vm0, $0x0, v40  }
.Ltmp19:
0x130: {  	v40 =	vadd.f32 v40, v43;
	vm14 =	vlt.s32 v38, v6;
	(pc) =	sbr.rel .LBB2_29-.Ltmp19, $4  }
0x131: {  	v38 =	vnsel vm14, $0x0, v39  }
0x132: {  	v38 =	vadd.f32 v38, v40;
	vm15 =	vlt.s32 v41, v6  }
0x133: {  	v63 =	vnsel vm15, $0x0, v42  }
0x134: {  	v38 =	vadd.f32 v63, v38  }
.LBB2_28:
0x135: {  	p0 =	sgt.s32 s18, s31  }
0x136: {  	v38 =	vpsel !p0, $0x0, v33  }
.LBB2_29:
0x137: {  	p0 =	sle.s32 s19, s0  }
0x138: {  	p1 =	sgt.s32 @!p0 s19, s31  }
0x139: {  	p0 =	por p0, p1  }
.Ltmp20:
0x13a: {  	_ = 	snop;
	(pc) =	sbr.rel @p0 .LBB2_33-.Ltmp20, $1  }
0x13b: {  	_ =	sdelay $0x3  }
0x13c: {  	s2 =	simm.s32 $0x9CA0  }
0x13d: {  	s3 =	simm.s32 $0x20;
	v40 =	vld [tilespmem:s2+$0xFFFFFFE0]  }
0x13e: {  	v42 =	vld [tilespmem:s3+$0xFFFFFFE0]  }
0x13f: {  	v43 =	vld [tilespmem:s2+$0xFFFFFFF0]  }
0x140: {  	v41 =	vld [tilespmem:s3+$0xFFFFFFF0]  }
0x141: {  	v39 =	vld [tilespmem:s2+$0x0]  }
0x142: {  	vm0 =	vlt.s32 v40, v7;
	v40 =	vld [tilespmem:s3+$0x0]  }
0x143: {  	v44 =	vimm.f32 $0.0e+00;
	v45 =	vnsel vm0, $0x0, v42;
	v42 =	vld [tilespmem:s2+$0x10]  }
0x144: {  	s9 =	simm.s32 $0x9CE0;
	s2 =	simm.s32 $0x0;
	vm0 =	vlt.s32 v43, v7;
	v43 =	vld [tilespmem:s3+$0x10];
	v44 =	vadd.f32 v45, v44  }
.LBB2_31:
0x145: {  	v45 =	vld [tilespmem:s9+$0xFFFFFFE0];
	s2 =	sadd.s32 $0x4, s2;
	v41 =	vnsel vm0, $0x0, v41;
	s3 =	sadd.s32 $0x40, s3  }
0x146: {  	v46 =	vld [tilespmem:s3+$0xFFFFFFE0];
	p0 =	slt.u32 s2, $0x9C0;
	v44 =	vadd.f32 v41, v44;
	vm0 =	vlt.s32 v39, v7  }
0x147: {  	v47 =	vld [tilespmem:s9+$0xFFFFFFF0];
	v39 =	vnsel vm0, $0x0, v40  }
.Ltmp21:
0x148: {  	v41 =	vld [tilespmem:s3+$0xFFFFFFF0];
	v44 =	vadd.f32 v39, v44;
	vm0 =	vlt.s32 v42, v7;
	(pc) =	sbr.rel @p0 .LBB2_31-.Ltmp21, $4  }
0x149: {  	v39 =	vld [tilespmem:s9+$0x0];
	v42 =	vnsel vm0, $0x0, v43  }
0x14a: {  	vm0 =	vlt.s32 v45, v7;
	v40 =	vld [tilespmem:s3+$0x0];
	v43 =	vadd.f32 v42, v44  }
0x14b: {  	v44 =	vnsel vm0, $0x0, v46;
	v42 =	vld [tilespmem:s9+$0x10]  }
0x14c: {  	s9 =	sadd.s32 $0x40, s9;
	v44 =	vadd.f32 v44, v43;
	vm0 =	vlt.s32 v47, v7;
	v43 =	vld [tilespmem:s3+$0x10]  }
0x14d: {  	v41 =	vnsel vm0, $0x0, v41  }
.Ltmp22:
0x14e: {  	v41 =	vadd.f32 v41, v44;
	vm14 =	vlt.s32 v39, v7;
	(pc) =	sbr.rel .LBB2_34-.Ltmp22, $4  }
0x14f: {  	v39 =	vnsel vm14, $0x0, v40  }
0x150: {  	v39 =	vadd.f32 v39, v41;
	vm15 =	vlt.s32 v42, v7  }
0x151: {  	v63 =	vnsel vm15, $0x0, v43  }
0x152: {  	v39 =	vadd.f32 v63, v39  }
.LBB2_33:
0x153: {  	p0 =	sgt.s32 s19, s31  }
0x154: {  	v39 =	vpsel !p0, $0x0, v33  }
.LBB2_34:
0x155: {  	p0 =	sle.s32 s20, s0  }
0x156: {  	p1 =	sgt.s32 @!p0 s20, s31  }
0x157: {  	p0 =	por p0, p1  }
.Ltmp23:
0x158: {  	_ = 	snop;
	(pc) =	sbr.rel @p0 .LBB2_38-.Ltmp23, $1  }
0x159: {  	_ =	sdelay $0x3  }
0x15a: {  	s2 =	simm.s32 $0x9CA0  }
0x15b: {  	s3 =	simm.s32 $0x20;
	v41 =	vld [tilespmem:s2+$0xFFFFFFE0]  }
0x15c: {  	v43 =	vld [tilespmem:s3+$0xFFFFFFE0]  }
0x15d: {  	v44 =	vld [tilespmem:s2+$0xFFFFFFF0]  }
0x15e: {  	v42 =	vld [tilespmem:s3+$0xFFFFFFF0]  }
0x15f: {  	v40 =	vld [tilespmem:s2+$0x0]  }
0x160: {  	vm0 =	vlt.s32 v41, v9;
	v41 =	vld [tilespmem:s3+$0x0]  }
0x161: {  	v45 =	vimm.f32 $0.0e+00;
	v46 =	vnsel vm0, $0x0, v43;
	v43 =	vld [tilespmem:s2+$0x10]  }
0x162: {  	s9 =	simm.s32 $0x9CE0;
	s2 =	simm.s32 $0x0;
	vm0 =	vlt.s32 v44, v9;
	v44 =	vld [tilespmem:s3+$0x10];
	v45 =	vadd.f32 v46, v45  }
.LBB2_36:
0x163: {  	v46 =	vld [tilespmem:s9+$0xFFFFFFE0];
	s2 =	sadd.s32 $0x4, s2;
	v42 =	vnsel vm0, $0x0, v42;
	s3 =	sadd.s32 $0x40, s3  }
0x164: {  	v47 =	vld [tilespmem:s3+$0xFFFFFFE0];
	p0 =	slt.u32 s2, $0x9C0;
	v45 =	vadd.f32 v42, v45;
	vm0 =	vlt.s32 v40, v9  }
0x165: {  	v48 =	vld [tilespmem:s9+$0xFFFFFFF0];
	v40 =	vnsel vm0, $0x0, v41  }
.Ltmp24:
0x166: {  	v42 =	vld [tilespmem:s3+$0xFFFFFFF0];
	v45 =	vadd.f32 v40, v45;
	vm0 =	vlt.s32 v43, v9;
	(pc) =	sbr.rel @p0 .LBB2_36-.Ltmp24, $4  }
0x167: {  	v40 =	vld [tilespmem:s9+$0x0];
	v43 =	vnsel vm0, $0x0, v44  }
0x168: {  	vm0 =	vlt.s32 v46, v9;
	v41 =	vld [tilespmem:s3+$0x0];
	v44 =	vadd.f32 v43, v45  }
0x169: {  	v45 =	vnsel vm0, $0x0, v47;
	v43 =	vld [tilespmem:s9+$0x10]  }
0x16a: {  	s9 =	sadd.s32 $0x40, s9;
	v45 =	vadd.f32 v45, v44;
	vm0 =	vlt.s32 v48, v9;
	v44 =	vld [tilespmem:s3+$0x10]  }
0x16b: {  	v42 =	vnsel vm0, $0x0, v42  }
.Ltmp25:
0x16c: {  	v42 =	vadd.f32 v42, v45;
	vm14 =	vlt.s32 v40, v9;
	(pc) =	sbr.rel .LBB2_39-.Ltmp25, $4  }
0x16d: {  	v40 =	vnsel vm14, $0x0, v41  }
0x16e: {  	v40 =	vadd.f32 v40, v42;
	vm15 =	vlt.s32 v43, v9  }
0x16f: {  	v63 =	vnsel vm15, $0x0, v44  }
0x170: {  	v40 =	vadd.f32 v63, v40  }
.LBB2_38:
0x171: {  	p0 =	sgt.s32 s20, s31  }
0x172: {  	v40 =	vpsel !p0, $0x0, v33  }
.LBB2_39:
0x173: {  	p0 =	sle.s32 s21, s0  }
0x174: {  	p1 =	sgt.s32 @!p0 s21, s31  }
0x175: {  	p0 =	por p0, p1  }
.Ltmp26:
0x176: {  	_ = 	snop;
	(pc) =	sbr.rel @p0 .LBB2_43-.Ltmp26, $1  }
0x177: {  	_ =	sdelay $0x3  }
0x178: {  	s2 =	simm.s32 $0x9CA0  }
0x179: {  	s3 =	simm.s32 $0x20;
	v42 =	vld [tilespmem:s2+$0xFFFFFFE0]  }
0x17a: {  	v44 =	vld [tilespmem:s3+$0xFFFFFFE0]  }
0x17b: {  	v45 =	vld [tilespmem:s2+$0xFFFFFFF0]  }
0x17c: {  	v43 =	vld [tilespmem:s3+$0xFFFFFFF0]  }
0x17d: {  	v41 =	vld [tilespmem:s2+$0x0]  }
0x17e: {  	vm0 =	vlt.s32 v42, v10;
	v42 =	vld [tilespmem:s3+$0x0]  }
0x17f: {  	v46 =	vimm.f32 $0.0e+00;
	v47 =	vnsel vm0, $0x0, v44;
	v44 =	vld [tilespmem:s2+$0x10]  }
0x180: {  	s9 =	simm.s32 $0x9CE0;
	s2 =	simm.s32 $0x0;
	vm0 =	vlt.s32 v45, v10;
	v45 =	vld [tilespmem:s3+$0x10];
	v46 =	vadd.f32 v47, v46  }
.LBB2_41:
0x181: {  	v47 =	vld [tilespmem:s9+$0xFFFFFFE0];
	s2 =	sadd.s32 $0x4, s2;
	v43 =	vnsel vm0, $0x0, v43;
	s3 =	sadd.s32 $0x40, s3  }
0x182: {  	v48 =	vld [tilespmem:s3+$0xFFFFFFE0];
	p0 =	slt.u32 s2, $0x9C0;
	v46 =	vadd.f32 v43, v46;
	vm0 =	vlt.s32 v41, v10  }
0x183: {  	v49 =	vld [tilespmem:s9+$0xFFFFFFF0];
	v41 =	vnsel vm0, $0x0, v42  }
.Ltmp27:
0x184: {  	v43 =	vld [tilespmem:s3+$0xFFFFFFF0];
	v46 =	vadd.f32 v41, v46;
	vm0 =	vlt.s32 v44, v10;
	(pc) =	sbr.rel @p0 .LBB2_41-.Ltmp27, $4  }
0x185: {  	v41 =	vld [tilespmem:s9+$0x0];
	v44 =	vnsel vm0, $0x0, v45  }
0x186: {  	vm0 =	vlt.s32 v47, v10;
	v42 =	vld [tilespmem:s3+$0x0];
	v45 =	vadd.f32 v44, v46  }
0x187: {  	v46 =	vnsel vm0, $0x0, v48;
	v44 =	vld [tilespmem:s9+$0x10]  }
0x188: {  	s9 =	sadd.s32 $0x40, s9;
	v46 =	vadd.f32 v46, v45;
	vm0 =	vlt.s32 v49, v10;
	v45 =	vld [tilespmem:s3+$0x10]  }
0x189: {  	v43 =	vnsel vm0, $0x0, v43  }
.Ltmp28:
0x18a: {  	v43 =	vadd.f32 v43, v46;
	vm14 =	vlt.s32 v41, v10;
	(pc) =	sbr.rel .LBB2_44-.Ltmp28, $4  }
0x18b: {  	v41 =	vnsel vm14, $0x0, v42  }
0x18c: {  	v41 =	vadd.f32 v41, v43;
	vm15 =	vlt.s32 v44, v10  }
0x18d: {  	v63 =	vnsel vm15, $0x0, v45  }
0x18e: {  	v41 =	vadd.f32 v63, v41  }
.LBB2_43:
0x18f: {  	p0 =	sgt.s32 s21, s31  }
0x190: {  	v41 =	vpsel !p0, $0x0, v33  }
.LBB2_44:
0x191: {  	p0 =	sle.s32 s22, s0  }
0x192: {  	p1 =	sgt.s32 @!p0 s22, s31  }
0x193: {  	p0 =	por p0, p1  }
.Ltmp29:
0x194: {  	_ = 	snop;
	(pc) =	sbr.rel @p0 .LBB2_48-.Ltmp29, $1  }
0x195: {  	_ =	sdelay $0x3  }
0x196: {  	s2 =	simm.s32 $0x9CA0  }
0x197: {  	s3 =	simm.s32 $0x20;
	v43 =	vld [tilespmem:s2+$0xFFFFFFE0]  }
0x198: {  	v45 =	vld [tilespmem:s3+$0xFFFFFFE0]  }
0x199: {  	v46 =	vld [tilespmem:s2+$0xFFFFFFF0]  }
0x19a: {  	v44 =	vld [tilespmem:s3+$0xFFFFFFF0]  }
0x19b: {  	v42 =	vld [tilespmem:s2+$0x0]  }
0x19c: {  	vm0 =	vlt.s32 v43, v12;
	v43 =	vld [tilespmem:s3+$0x0]  }
0x19d: {  	v47 =	vimm.f32 $0.0e+00;
	v48 =	vnsel vm0, $0x0, v45;
	v45 =	vld [tilespmem:s2+$0x10]  }
0x19e: {  	s9 =	simm.s32 $0x9CE0;
	s2 =	simm.s32 $0x0;
	vm0 =	vlt.s32 v46, v12;
	v46 =	vld [tilespmem:s3+$0x10];
	v47 =	vadd.f32 v48, v47  }
.LBB2_46:
0x19f: {  	v48 =	vld [tilespmem:s9+$0xFFFFFFE0];
	s2 =	sadd.s32 $0x4, s2;
	v44 =	vnsel vm0, $0x0, v44;
	s3 =	sadd.s32 $0x40, s3  }
0x1a0: {  	v49 =	vld [tilespmem:s3+$0xFFFFFFE0];
	p0 =	slt.u32 s2, $0x9C0;
	v47 =	vadd.f32 v44, v47;
	vm0 =	vlt.s32 v42, v12  }
0x1a1: {  	v50 =	vld [tilespmem:s9+$0xFFFFFFF0];
	v42 =	vnsel vm0, $0x0, v43  }
.Ltmp30:
0x1a2: {  	v44 =	vld [tilespmem:s3+$0xFFFFFFF0];
	v47 =	vadd.f32 v42, v47;
	vm0 =	vlt.s32 v45, v12;
	(pc) =	sbr.rel @p0 .LBB2_46-.Ltmp30, $4  }
0x1a3: {  	v42 =	vld [tilespmem:s9+$0x0];
	v45 =	vnsel vm0, $0x0, v46  }
0x1a4: {  	vm0 =	vlt.s32 v48, v12;
	v43 =	vld [tilespmem:s3+$0x0];
	v46 =	vadd.f32 v45, v47  }
0x1a5: {  	v47 =	vnsel vm0, $0x0, v49;
	v45 =	vld [tilespmem:s9+$0x10]  }
0x1a6: {  	s9 =	sadd.s32 $0x40, s9;
	v47 =	vadd.f32 v47, v46;
	vm0 =	vlt.s32 v50, v12;
	v46 =	vld [tilespmem:s3+$0x10]  }
0x1a7: {  	v44 =	vnsel vm0, $0x0, v44  }
.Ltmp31:
0x1a8: {  	v44 =	vadd.f32 v44, v47;
	vm14 =	vlt.s32 v42, v12;
	(pc) =	sbr.rel .LBB2_49-.Ltmp31, $4  }
0x1a9: {  	v42 =	vnsel vm14, $0x0, v43  }
0x1aa: {  	v42 =	vadd.f32 v42, v44;
	vm15 =	vlt.s32 v45, v12  }
0x1ab: {  	v63 =	vnsel vm15, $0x0, v46  }
0x1ac: {  	v42 =	vadd.f32 v63, v42  }
.LBB2_48:
0x1ad: {  	p0 =	sgt.s32 s22, s31  }
0x1ae: {  	v42 =	vpsel !p0, $0x0, v33  }
.LBB2_49:
0x1af: {  	p0 =	sle.s32 s23, s0  }
0x1b0: {  	p1 =	sgt.s32 @!p0 s23, s31  }
0x1b1: {  	p0 =	por p0, p1  }
.Ltmp32:
0x1b2: {  	_ = 	snop;
	(pc) =	sbr.rel @p0 .LBB2_53-.Ltmp32, $1  }
0x1b3: {  	_ =	sdelay $0x3  }
0x1b4: {  	s2 =	simm.s32 $0x9CA0  }
0x1b5: {  	s3 =	simm.s32 $0x20;
	v44 =	vld [tilespmem:s2+$0xFFFFFFE0]  }
0x1b6: {  	v46 =	vld [tilespmem:s3+$0xFFFFFFE0]  }
0x1b7: {  	v47 =	vld [tilespmem:s2+$0xFFFFFFF0]  }
0x1b8: {  	v45 =	vld [tilespmem:s3+$0xFFFFFFF0]  }
0x1b9: {  	v43 =	vld [tilespmem:s2+$0x0]  }
0x1ba: {  	vm0 =	vlt.s32 v44, v13;
	v44 =	vld [tilespmem:s3+$0x0]  }
0x1bb: {  	v48 =	vimm.f32 $0.0e+00;
	v49 =	vnsel vm0, $0x0, v46;
	v46 =	vld [tilespmem:s2+$0x10]  }
0x1bc: {  	s9 =	simm.s32 $0x9CE0;
	s2 =	simm.s32 $0x0;
	vm0 =	vlt.s32 v47, v13;
	v47 =	vld [tilespmem:s3+$0x10];
	v48 =	vadd.f32 v49, v48  }
.LBB2_51:
0x1bd: {  	v49 =	vld [tilespmem:s9+$0xFFFFFFE0];
	s2 =	sadd.s32 $0x4, s2;
	v45 =	vnsel vm0, $0x0, v45;
	s3 =	sadd.s32 $0x40, s3  }
0x1be: {  	v50 =	vld [tilespmem:s3+$0xFFFFFFE0];
	p0 =	slt.u32 s2, $0x9C0;
	v48 =	vadd.f32 v45, v48;
	vm0 =	vlt.s32 v43, v13  }
0x1bf: {  	v51 =	vld [tilespmem:s9+$0xFFFFFFF0];
	v43 =	vnsel vm0, $0x0, v44  }
.Ltmp33:
0x1c0: {  	v45 =	vld [tilespmem:s3+$0xFFFFFFF0];
	v48 =	vadd.f32 v43, v48;
	vm0 =	vlt.s32 v46, v13;
	(pc) =	sbr.rel @p0 .LBB2_51-.Ltmp33, $4  }
0x1c1: {  	v43 =	vld [tilespmem:s9+$0x0];
	v46 =	vnsel vm0, $0x0, v47  }
0x1c2: {  	vm0 =	vlt.s32 v49, v13;
	v44 =	vld [tilespmem:s3+$0x0];
	v47 =	vadd.f32 v46, v48  }
0x1c3: {  	v48 =	vnsel vm0, $0x0, v50;
	v46 =	vld [tilespmem:s9+$0x10]  }
0x1c4: {  	s9 =	sadd.s32 $0x40, s9;
	v48 =	vadd.f32 v48, v47;
	vm0 =	vlt.s32 v51, v13;
	v47 =	vld [tilespmem:s3+$0x10]  }
0x1c5: {  	v45 =	vnsel vm0, $0x0, v45  }
.Ltmp34:
0x1c6: {  	v45 =	vadd.f32 v45, v48;
	vm14 =	vlt.s32 v43, v13;
	(pc) =	sbr.rel .LBB2_54-.Ltmp34, $4  }
0x1c7: {  	v43 =	vnsel vm14, $0x0, v44  }
0x1c8: {  	v43 =	vadd.f32 v43, v45;
	vm15 =	vlt.s32 v46, v13  }
0x1c9: {  	v63 =	vnsel vm15, $0x0, v47  }
0x1ca: {  	v43 =	vadd.f32 v63, v43  }
.LBB2_53:
0x1cb: {  	p0 =	sgt.s32 s23, s31  }
0x1cc: {  	v43 =	vpsel !p0, $0x0, v33  }
.LBB2_54:
0x1cd: {  	p0 =	sle.s32 s24, s0  }
0x1ce: {  	p1 =	sgt.s32 @!p0 s24, s31  }
0x1cf: {  	p0 =	por p0, p1  }
.Ltmp35:
0x1d0: {  	_ = 	snop;
	(pc) =	sbr.rel @p0 .LBB2_58-.Ltmp35, $1  }
0x1d1: {  	_ =	sdelay $0x3  }
0x1d2: {  	s2 =	simm.s32 $0x9CA0  }
0x1d3: {  	s3 =	simm.s32 $0x20;
	v45 =	vld [tilespmem:s2+$0xFFFFFFE0]  }
0x1d4: {  	v47 =	vld [tilespmem:s3+$0xFFFFFFE0]  }
0x1d5: {  	v48 =	vld [tilespmem:s2+$0xFFFFFFF0]  }
0x1d6: {  	v46 =	vld [tilespmem:s3+$0xFFFFFFF0]  }
0x1d7: {  	v44 =	vld [tilespmem:s2+$0x0]  }
0x1d8: {  	vm0 =	vlt.s32 v45, v15;
	v45 =	vld [tilespmem:s3+$0x0]  }
0x1d9: {  	v49 =	vimm.f32 $0.0e+00;
	v50 =	vnsel vm0, $0x0, v47;
	v47 =	vld [tilespmem:s2+$0x10]  }
0x1da: {  	s9 =	simm.s32 $0x9CE0;
	s2 =	simm.s32 $0x0;
	vm0 =	vlt.s32 v48, v15;
	v48 =	vld [tilespmem:s3+$0x10];
	v49 =	vadd.f32 v50, v49  }
.LBB2_56:
0x1db: {  	v50 =	vld [tilespmem:s9+$0xFFFFFFE0];
	s2 =	sadd.s32 $0x4, s2;
	v46 =	vnsel vm0, $0x0, v46;
	s3 =	sadd.s32 $0x40, s3  }
0x1dc: {  	v51 =	vld [tilespmem:s3+$0xFFFFFFE0];
	p0 =	slt.u32 s2, $0x9C0;
	v49 =	vadd.f32 v46, v49;
	vm0 =	vlt.s32 v44, v15  }
0x1dd: {  	v52 =	vld [tilespmem:s9+$0xFFFFFFF0];
	v44 =	vnsel vm0, $0x0, v45  }
.Ltmp36:
0x1de: {  	v46 =	vld [tilespmem:s3+$0xFFFFFFF0];
	v49 =	vadd.f32 v44, v49;
	vm0 =	vlt.s32 v47, v15;
	(pc) =	sbr.rel @p0 .LBB2_56-.Ltmp36, $4  }
0x1df: {  	v44 =	vld [tilespmem:s9+$0x0];
	v47 =	vnsel vm0, $0x0, v48  }
0x1e0: {  	vm0 =	vlt.s32 v50, v15;
	v45 =	vld [tilespmem:s3+$0x0];
	v48 =	vadd.f32 v47, v49  }
0x1e1: {  	v49 =	vnsel vm0, $0x0, v51;
	v47 =	vld [tilespmem:s9+$0x10]  }
0x1e2: {  	s9 =	sadd.s32 $0x40, s9;
	v49 =	vadd.f32 v49, v48;
	vm0 =	vlt.s32 v52, v15;
	v48 =	vld [tilespmem:s3+$0x10]  }
0x1e3: {  	v46 =	vnsel vm0, $0x0, v46  }
.Ltmp37:
0x1e4: {  	v46 =	vadd.f32 v46, v49;
	vm14 =	vlt.s32 v44, v15;
	(pc) =	sbr.rel .LBB2_59-.Ltmp37, $4  }
0x1e5: {  	v44 =	vnsel vm14, $0x0, v45  }
0x1e6: {  	v44 =	vadd.f32 v44, v46;
	vm15 =	vlt.s32 v47, v15  }
0x1e7: {  	v63 =	vnsel vm15, $0x0, v48  }
0x1e8: {  	v44 =	vadd.f32 v63, v44  }
.LBB2_58:
0x1e9: {  	p0 =	sgt.s32 s24, s31  }
0x1ea: {  	v44 =	vpsel !p0, $0x0, v33  }
.LBB2_59:
0x1eb: {  	p0 =	sle.s32 s25, s0  }
0x1ec: {  	p1 =	sgt.s32 @!p0 s25, s31  }
0x1ed: {  	p0 =	por p0, p1  }
.Ltmp38:
0x1ee: {  	_ = 	snop;
	(pc) =	sbr.rel @p0 .LBB2_63-.Ltmp38, $1  }
0x1ef: {  	_ =	sdelay $0x3  }
0x1f0: {  	s2 =	simm.s32 $0x9CA0  }
0x1f1: {  	s3 =	simm.s32 $0x20;
	v46 =	vld [tilespmem:s2+$0xFFFFFFE0]  }
0x1f2: {  	v48 =	vld [tilespmem:s3+$0xFFFFFFE0]  }
0x1f3: {  	v49 =	vld [tilespmem:s2+$0xFFFFFFF0]  }
0x1f4: {  	v47 =	vld [tilespmem:s3+$0xFFFFFFF0]  }
0x1f5: {  	v45 =	vld [tilespmem:s2+$0x0]  }
0x1f6: {  	vm0 =	vlt.s32 v46, v16;
	v46 =	vld [tilespmem:s3+$0x0]  }
0x1f7: {  	v50 =	vimm.f32 $0.0e+00;
	v51 =	vnsel vm0, $0x0, v48;
	v48 =	vld [tilespmem:s2+$0x10]  }
0x1f8: {  	s9 =	simm.s32 $0x9CE0;
	s2 =	simm.s32 $0x0;
	vm0 =	vlt.s32 v49, v16;
	v49 =	vld [tilespmem:s3+$0x10];
	v50 =	vadd.f32 v51, v50  }
.LBB2_61:
0x1f9: {  	v51 =	vld [tilespmem:s9+$0xFFFFFFE0];
	s2 =	sadd.s32 $0x4, s2;
	v47 =	vnsel vm0, $0x0, v47;
	s3 =	sadd.s32 $0x40, s3  }
0x1fa: {  	v52 =	vld [tilespmem:s3+$0xFFFFFFE0];
	p0 =	slt.u32 s2, $0x9C0;
	v50 =	vadd.f32 v47, v50;
	vm0 =	vlt.s32 v45, v16  }
0x1fb: {  	v53 =	vld [tilespmem:s9+$0xFFFFFFF0];
	v45 =	vnsel vm0, $0x0, v46  }
.Ltmp39:
0x1fc: {  	v47 =	vld [tilespmem:s3+$0xFFFFFFF0];
	v50 =	vadd.f32 v45, v50;
	vm0 =	vlt.s32 v48, v16;
	(pc) =	sbr.rel @p0 .LBB2_61-.Ltmp39, $4  }
0x1fd: {  	v45 =	vld [tilespmem:s9+$0x0];
	v48 =	vnsel vm0, $0x0, v49  }
0x1fe: {  	vm0 =	vlt.s32 v51, v16;
	v46 =	vld [tilespmem:s3+$0x0];
	v49 =	vadd.f32 v48, v50  }
0x1ff: {  	v50 =	vnsel vm0, $0x0, v52;
	v48 =	vld [tilespmem:s9+$0x10]  }
0x200: {  	s9 =	sadd.s32 $0x40, s9;
	v50 =	vadd.f32 v50, v49;
	vm0 =	vlt.s32 v53, v16;
	v49 =	vld [tilespmem:s3+$0x10]  }
0x201: {  	v47 =	vnsel vm0, $0x0, v47  }
.Ltmp40:
0x202: {  	v47 =	vadd.f32 v47, v50;
	vm14 =	vlt.s32 v45, v16;
	(pc) =	sbr.rel .LBB2_64-.Ltmp40, $4  }
0x203: {  	v45 =	vnsel vm14, $0x0, v46  }
0x204: {  	v45 =	vadd.f32 v45, v47;
	vm15 =	vlt.s32 v48, v16  }
0x205: {  	v63 =	vnsel vm15, $0x0, v49  }
0x206: {  	v45 =	vadd.f32 v63, v45  }
.LBB2_63:
0x207: {  	p0 =	sgt.s32 s25, s31  }
0x208: {  	v45 =	vpsel !p0, $0x0, v33  }
.LBB2_64:
0x209: {  	p0 =	sle.s32 s26, s0  }
0x20a: {  	p1 =	sgt.s32 @!p0 s26, s31  }
0x20b: {  	p0 =	por p0, p1  }
.Ltmp41:
0x20c: {  	_ = 	snop;
	(pc) =	sbr.rel @p0 .LBB2_68-.Ltmp41, $1  }
0x20d: {  	_ =	sdelay $0x3  }
0x20e: {  	s2 =	simm.s32 $0x9CA0  }
0x20f: {  	s3 =	simm.s32 $0x20;
	v47 =	vld [tilespmem:s2+$0xFFFFFFE0]  }
0x210: {  	v49 =	vld [tilespmem:s3+$0xFFFFFFE0]  }
0x211: {  	v50 =	vld [tilespmem:s2+$0xFFFFFFF0]  }
0x212: {  	v48 =	vld [tilespmem:s3+$0xFFFFFFF0]  }
0x213: {  	v46 =	vld [tilespmem:s2+$0x0]  }
0x214: {  	vm0 =	vlt.s32 v47, v18;
	v47 =	vld [tilespmem:s3+$0x0]  }
0x215: {  	v51 =	vimm.f32 $0.0e+00;
	v52 =	vnsel vm0, $0x0, v49;
	v49 =	vld [tilespmem:s2+$0x10]  }
0x216: {  	s9 =	simm.s32 $0x9CE0;
	s2 =	simm.s32 $0x0;
	vm0 =	vlt.s32 v50, v18;
	v50 =	vld [tilespmem:s3+$0x10];
	v51 =	vadd.f32 v52, v51  }
.LBB2_66:
0x217: {  	v52 =	vld [tilespmem:s9+$0xFFFFFFE0];
	s2 =	sadd.s32 $0x4, s2;
	v48 =	vnsel vm0, $0x0, v48;
	s3 =	sadd.s32 $0x40, s3  }
0x218: {  	v53 =	vld [tilespmem:s3+$0xFFFFFFE0];
	p0 =	slt.u32 s2, $0x9C0;
	v51 =	vadd.f32 v48, v51;
	vm0 =	vlt.s32 v46, v18  }
0x219: {  	v54 =	vld [tilespmem:s9+$0xFFFFFFF0];
	v46 =	vnsel vm0, $0x0, v47  }
.Ltmp42:
0x21a: {  	v48 =	vld [tilespmem:s3+$0xFFFFFFF0];
	v51 =	vadd.f32 v46, v51;
	vm0 =	vlt.s32 v49, v18;
	(pc) =	sbr.rel @p0 .LBB2_66-.Ltmp42, $4  }
0x21b: {  	v46 =	vld [tilespmem:s9+$0x0];
	v49 =	vnsel vm0, $0x0, v50  }
0x21c: {  	vm0 =	vlt.s32 v52, v18;
	v47 =	vld [tilespmem:s3+$0x0];
	v50 =	vadd.f32 v49, v51  }
0x21d: {  	v51 =	vnsel vm0, $0x0, v53;
	v49 =	vld [tilespmem:s9+$0x10]  }
0x21e: {  	s9 =	sadd.s32 $0x40, s9;
	v51 =	vadd.f32 v51, v50;
	vm0 =	vlt.s32 v54, v18;
	v50 =	vld [tilespmem:s3+$0x10]  }
0x21f: {  	v48 =	vnsel vm0, $0x0, v48  }
.Ltmp43:
0x220: {  	v48 =	vadd.f32 v48, v51;
	vm14 =	vlt.s32 v46, v18;
	(pc) =	sbr.rel .LBB2_69-.Ltmp43, $4  }
0x221: {  	v46 =	vnsel vm14, $0x0, v47  }
0x222: {  	v46 =	vadd.f32 v46, v48;
	vm15 =	vlt.s32 v49, v18  }
0x223: {  	v63 =	vnsel vm15, $0x0, v50  }
0x224: {  	v46 =	vadd.f32 v63, v46  }
.LBB2_68:
0x225: {  	p0 =	sgt.s32 s26, s31  }
0x226: {  	v46 =	vpsel !p0, $0x0, v33  }
.LBB2_69:
0x227: {  	p0 =	sle.s32 s28, s0  }
0x228: {  	p1 =	sgt.s32 @!p0 s28, s31  }
0x229: {  	p0 =	por p0, p1  }
.Ltmp44:
0x22a: {  	_ = 	snop;
	(pc) =	sbr.rel @p0 .LBB2_73-.Ltmp44, $1  }
0x22b: {  	_ =	sdelay $0x3  }
0x22c: {  	s2 =	simm.s32 $0x9CA0  }
0x22d: {  	s3 =	simm.s32 $0x20;
	v48 =	vld [tilespmem:s2+$0xFFFFFFE0]  }
0x22e: {  	v50 =	vld [tilespmem:s3+$0xFFFFFFE0]  }
0x22f: {  	v51 =	vld [tilespmem:s2+$0xFFFFFFF0]  }
0x230: {  	v49 =	vld [tilespmem:s3+$0xFFFFFFF0]  }
0x231: {  	v47 =	vld [tilespmem:s2+$0x0]  }
0x232: {  	vm0 =	vlt.s32 v48, v20;
	v48 =	vld [tilespmem:s3+$0x0]  }
0x233: {  	v52 =	vimm.f32 $0.0e+00;
	v53 =	vnsel vm0, $0x0, v50;
	v50 =	vld [tilespmem:s2+$0x10]  }
0x234: {  	s9 =	simm.s32 $0x9CE0;
	s2 =	simm.s32 $0x0;
	vm0 =	vlt.s32 v51, v20;
	v51 =	vld [tilespmem:s3+$0x10];
	v52 =	vadd.f32 v53, v52  }
.LBB2_71:
0x235: {  	v53 =	vld [tilespmem:s9+$0xFFFFFFE0];
	s2 =	sadd.s32 $0x4, s2;
	v49 =	vnsel vm0, $0x0, v49;
	s3 =	sadd.s32 $0x40, s3  }
0x236: {  	v54 =	vld [tilespmem:s3+$0xFFFFFFE0];
	p0 =	slt.u32 s2, $0x9C0;
	v52 =	vadd.f32 v49, v52;
	vm0 =	vlt.s32 v47, v20  }
0x237: {  	v55 =	vld [tilespmem:s9+$0xFFFFFFF0];
	v47 =	vnsel vm0, $0x0, v48  }
.Ltmp45:
0x238: {  	v49 =	vld [tilespmem:s3+$0xFFFFFFF0];
	v52 =	vadd.f32 v47, v52;
	vm0 =	vlt.s32 v50, v20;
	(pc) =	sbr.rel @p0 .LBB2_71-.Ltmp45, $4  }
0x239: {  	v47 =	vld [tilespmem:s9+$0x0];
	v50 =	vnsel vm0, $0x0, v51  }
0x23a: {  	vm0 =	vlt.s32 v53, v20;
	v48 =	vld [tilespmem:s3+$0x0];
	v51 =	vadd.f32 v50, v52  }
0x23b: {  	v52 =	vnsel vm0, $0x0, v54;
	v50 =	vld [tilespmem:s9+$0x10]  }
0x23c: {  	s9 =	sadd.s32 $0x40, s9;
	v52 =	vadd.f32 v52, v51;
	vm0 =	vlt.s32 v55, v20;
	v51 =	vld [tilespmem:s3+$0x10]  }
0x23d: {  	v49 =	vnsel vm0, $0x0, v49  }
.Ltmp46:
0x23e: {  	v49 =	vadd.f32 v49, v52;
	vm14 =	vlt.s32 v47, v20;
	(pc) =	sbr.rel .LBB2_74-.Ltmp46, $4  }
0x23f: {  	v47 =	vnsel vm14, $0x0, v48  }
0x240: {  	v47 =	vadd.f32 v47, v49;
	vm15 =	vlt.s32 v50, v20  }
0x241: {  	v63 =	vnsel vm15, $0x0, v51  }
0x242: {  	v47 =	vadd.f32 v63, v47  }
.LBB2_73:
0x243: {  	p0 =	sgt.s32 s28, s31  }
0x244: {  	v47 =	vpsel !p0, $0x0, v33  }
.LBB2_74:
0x245: {  	p0 =	sle.s32 s29, s0  }
0x246: {  	p1 =	sgt.s32 @!p0 s29, s31  }
0x247: {  	p0 =	por p0, p1  }
.Ltmp47:
0x248: {  	_ = 	snop;
	(pc) =	sbr.rel @p0 .LBB2_78-.Ltmp47, $1  }
0x249: {  	_ =	sdelay $0x3  }
0x24a: {  	s2 =	simm.s32 $0x9CA0  }
0x24b: {  	s0 =	simm.s32 $0x20;
	v49 =	vld [tilespmem:s2+$0xFFFFFFE0]  }
0x24c: {  	v51 =	vld [tilespmem:s0+$0xFFFFFFE0]  }
0x24d: {  	v52 =	vld [tilespmem:s2+$0xFFFFFFF0]  }
0x24e: {  	v50 =	vld [tilespmem:s0+$0xFFFFFFF0]  }
0x24f: {  	v48 =	vld [tilespmem:s2+$0x0]  }
0x250: {  	vm0 =	vlt.s32 v49, v22;
	v49 =	vld [tilespmem:s0+$0x0]  }
0x251: {  	v53 =	vimm.f32 $0.0e+00;
	v54 =	vnsel vm0, $0x0, v51;
	v51 =	vld [tilespmem:s2+$0x10]  }
0x252: {  	s3 =	simm.s32 $0x9CE0;
	s2 =	simm.s32 $0x0;
	vm0 =	vlt.s32 v52, v22;
	v52 =	vld [tilespmem:s0+$0x10];
	v53 =	vadd.f32 v54, v53  }
.LBB2_76:
0x253: {  	v54 =	vld [tilespmem:s3+$0xFFFFFFE0];
	s2 =	sadd.s32 $0x4, s2;
	v50 =	vnsel vm0, $0x0, v50;
	s0 =	sadd.s32 $0x40, s0  }
0x254: {  	v55 =	vld [tilespmem:s0+$0xFFFFFFE0];
	p0 =	slt.u32 s2, $0x9C0;
	v53 =	vadd.f32 v50, v53;
	vm0 =	vlt.s32 v48, v22  }
0x255: {  	v56 =	vld [tilespmem:s3+$0xFFFFFFF0];
	v48 =	vnsel vm0, $0x0, v49  }
.Ltmp48:
0x256: {  	v50 =	vld [tilespmem:s0+$0xFFFFFFF0];
	v53 =	vadd.f32 v48, v53;
	vm0 =	vlt.s32 v51, v22;
	(pc) =	sbr.rel @p0 .LBB2_76-.Ltmp48, $4  }
0x257: {  	v48 =	vld [tilespmem:s3+$0x0];
	v51 =	vnsel vm0, $0x0, v52  }
0x258: {  	vm0 =	vlt.s32 v54, v22;
	v49 =	vld [tilespmem:s0+$0x0];
	v52 =	vadd.f32 v51, v53  }
0x259: {  	v53 =	vnsel vm0, $0x0, v55;
	v51 =	vld [tilespmem:s3+$0x10]  }
0x25a: {  	s3 =	sadd.s32 $0x40, s3;
	v53 =	vadd.f32 v53, v52;
	vm0 =	vlt.s32 v56, v22;
	v52 =	vld [tilespmem:s0+$0x10]  }
0x25b: {  	v50 =	vnsel vm0, $0x0, v50  }
.Ltmp49:
0x25c: {  	v50 =	vadd.f32 v50, v53;
	vm14 =	vlt.s32 v48, v22;
	(pc) =	sbr.rel .LBB2_79-.Ltmp49, $4  }
0x25d: {  	v48 =	vnsel vm14, $0x0, v49  }
0x25e: {  	v48 =	vadd.f32 v48, v50;
	vm15 =	vlt.s32 v51, v22  }
0x25f: {  	v63 =	vnsel vm15, $0x0, v52  }
0x260: {  	v48 =	vadd.f32 v63, v48  }
.LBB2_81:
0x261: {  	_ =	sfence.sel $0x180000  }
0x262: {  	[bflag:$0x0] =	sbarrier.arrive $0xFFFF  }
0x263: {  	_ =	strace $0x90000047  }
0x264: {  	s0 =	stileid.u32;
	[bflag:$0x2] =	sbarrier.arrive $0xFFFF  }
0x265: {  	p0 =	sne.s32 s0, $0x0;
	s0 =	rddreg [dreg:$0x3]  }
0x266: {  	s0 =	sadd.s32 @!p0 $0x100000, s0  }
0x267: {  	[sflag:s0] =	ssyncadd.tile.s32 @!p0 $0x1;
	_ =	shalt  }
.Lfunc_end2:
_tile_overlayer_lowered:
.L_overlay_start_2:
0x268: {  	(tag) =	ssettag $0x2  }
0x269: {  	s0 =	rddreg [dreg:$0x0];
	s2 =	stileid.u32  }
0x26a: {  	s1 =	rddreg [dreg:$0x1];
	p0 =	sne.s32 s2, $0x0  }
0x26b: {  	s3 =	rddreg [dreg:$0x2];
	[bflag:$0x3] =	sbarrier.arrive $0xFFFF;
	s2 =	simm.s32 @!p0 $0x1C01  }
0x26c: {  	[timem:s3], [sflag:s2] =	dma.local @!p0 [hbm:s0], s1  }
0x26d: {  	s0 =	simm.s32 @!p0 $0x1  }
0x26e: {  	_ =	swait.ge @!p0 [sflag:s0], s1  }
0x26f: {  	s1 =	ssub.s32 @!p0 $0x0, s1;
	[sflag:s0] =	ssyncset.done @!p0 $0x0  }
0x270: {  	[sflag:s0] =	ssyncadd.s32 @!p0 s1  }
0x271: {  	[bflag:$0x3] =	sbarrier.arrive $0xFFFF  }
0x272: {  	_ =	shalt  }

</sc_bundles>
